<compile_context>
chip_gen: v7x
topology: tpu7x:2x2x1
jax: 0.10.2.dev20260603
libtpu: 0.0.44.dev20260713+nightly
codegen_flags: <defaults>
</compile_context>

<pallas_src>
import functools

import jax
import jax.numpy as jnp
from jax import lax
from jax.experimental import pallas as pl
from jax.experimental.pallas import tpu as pltpu
from jax.experimental.pallas import tpu_sc as plsc

N = 10000
E = 320000
D = 128
NC = 2
NS = 16
NW = NC * NS
CH = 128
CPW = 79
EPAD = NW * CH * CPW
NPAD = 10240
RPT = NPAD // NS


def _sc_agg_body(h_hbm, src_hbm, dst_hbm, zero_nd,
                 psum,
                 acc, sidx, didx, rows, gsem):
    c = lax.axis_index("c")
    s = lax.axis_index("s")
    wid = s * NC + c
    r0 = s * RPT

    pltpu.sync_copy(zero_nd.at[pl.ds(r0, RPT)], acc.at[pl.ds(r0, RPT)])
    plsc.subcore_barrier()

    @pl.loop(0, CPW)
    def _chunks(i):
        e0 = (wid + i * NW) * CH
        pltpu.sync_copy(src_hbm.at[pl.ds(e0, CH)], sidx)
        pltpu.sync_copy(dst_hbm.at[pl.ds(e0, CH)], didx.at[0])
        pltpu.async_copy(h_hbm.at[sidx], rows, gsem).wait()
        pltpu.sync_copy(rows, acc.at[didx.at[0]], add=True)

    plsc.subcore_barrier()

    o0 = c * NPAD + r0
    pltpu.sync_copy(acc.at[pl.ds(r0, RPT)], psum.at[pl.ds(o0, RPT)])


def _sc_cnt_body(dst_hbm, zero_nd, ones_nd,
                 cnt,
                 acc, didx, onesv):
    c = lax.axis_index("c")
    s = lax.axis_index("s")
    wid = s * NC + c
    r0 = s * RPT

    pltpu.sync_copy(zero_nd.at[pl.ds(r0, RPT)], acc.at[pl.ds(r0, RPT)])
    pltpu.sync_copy(ones_nd, onesv)
    plsc.subcore_barrier()

    @pl.loop(0, CPW)
    def _chunks(i):
        e0 = (wid + i * NW) * CH
        pltpu.sync_copy(dst_hbm.at[pl.ds(e0, CH)], didx.at[0])
        pltpu.sync_copy(onesv, acc.at[didx.at[0]], add=True)

    plsc.subcore_barrier()

    o0 = c * NPAD + r0
    pltpu.sync_copy(acc.at[pl.ds(r0, RPT)], cnt.at[pl.ds(o0, RPT)])


_sc_mesh = plsc.VectorSubcoreMesh(core_axis_name="c", subcore_axis_name="s",
                                  num_cores=NC, num_subcores=NS)

_sc_agg = pl.kernel(
    _sc_agg_body,
    out_type=jax.ShapeDtypeStruct((NC * NPAD, D), jnp.float32),
    mesh=_sc_mesh,
    scratch_types=(
        pltpu.VMEM_SHARED((NPAD, D), jnp.float32),
        pltpu.VMEM((CH,), jnp.int32),
        pltpu.VMEM((1, CH), jnp.int32),
        pltpu.VMEM((CH, D), jnp.float32),
        pltpu.SemaphoreType.DMA,
    ),
)

_sc_cnt = pl.kernel(
    _sc_cnt_body,
    out_type=jax.ShapeDtypeStruct((NC * NPAD, D), jnp.float32),
    mesh=_sc_mesh,
    scratch_types=(
        pltpu.VMEM_SHARED((NPAD, D), jnp.float32),
        pltpu.VMEM((1, CH), jnp.int32),
        pltpu.VMEM((CH, D), jnp.float32),
    ),
)


R = 1000


def _dense1_body(p0, p1, c0, c1, x, wl, wr, bl, out):
    tot = jnp.sum(c0[0] + c1[0], axis=1, keepdims=True) * (1.0 / D)
    inv = 1.0 / jnp.maximum(tot, 1.0)
    agg = (p0[0] + p1[0]) * inv
    h = lax.dot_general(agg, wl[...], (((1,), (1,)), ((), ())),
                        preferred_element_type=jnp.float32)
    h = h + bl[...] + lax.dot_general(x[...], wr[...], (((1,), (1,)), ((), ())),
                                      preferred_element_type=jnp.float32)
    out[...] = jnp.maximum(h, 0.0)


def _dense2_body(p0, p1, c0, c1, x, wl, wr, bl, w3, b3, out):
    tot = jnp.sum(c0[0] + c1[0], axis=1, keepdims=True) * (1.0 / D)
    inv = 1.0 / jnp.maximum(tot, 1.0)
    agg = (p0[0] + p1[0]) * inv
    h = lax.dot_general(agg, wl[...], (((1,), (1,)), ((), ())),
                        preferred_element_type=jnp.float32)
    h = h + bl[...] + lax.dot_general(x[...], wr[...], (((1,), (1,)), ((), ())),
                                      preferred_element_type=jnp.float32)
    h = jnp.maximum(h, 0.0)
    out[...] = lax.dot_general(h, w3[...], (((1,), (1,)), ((), ())),
                               preferred_element_type=jnp.float32) + b3[...]


_row_blk = pl.BlockSpec((R, D), lambda i: (i, 0))
_p0_blk = pl.BlockSpec((1, R, D), lambda i: (0, i, 0))
_p1_blk = pl.BlockSpec((1, R, D), lambda i: (1, i, 0))
_w_blk = pl.BlockSpec((D, D), lambda i: (0, 0))
_b_blk = pl.BlockSpec((1, D), lambda i: (0, 0))

_dense1 = pl.pallas_call(
    _dense1_body,
    grid=(N // R,),
    in_specs=[_p0_blk, _p1_blk, _p0_blk, _p1_blk, _row_blk,
              _w_blk, _w_blk, _b_blk],
    out_specs=_row_blk,
    out_shape=jax.ShapeDtypeStruct((N, D), jnp.float32),
)

_dense2 = pl.pallas_call(
    _dense2_body,
    grid=(N // R,),
    in_specs=[_p0_blk, _p1_blk, _p0_blk, _p1_blk, _row_blk,
              _w_blk, _w_blk, _b_blk, _w_blk, _b_blk],
    out_specs=_row_blk,
    out_shape=jax.ShapeDtypeStruct((N, D), jnp.float32),
)


def kernel(x, edge_index, Wl1, bl1, Wr1, Wl2, bl2, Wr2, W3, b3):
    src = edge_index[0]
    dst = edge_index[1]
    pad = EPAD - E
    srcp = jnp.concatenate([src, jnp.zeros((pad,), src.dtype)])
    dstp = jnp.concatenate([dst, jnp.full((pad,), N, dst.dtype)])
    zero_nd = jnp.zeros((NPAD, D), jnp.float32)
    ones_nd = jnp.ones((CH, D), jnp.float32)
    bl1r = bl1.reshape(1, D)
    bl2r = bl2.reshape(1, D)
    b3r = b3.reshape(1, D)

    cnt = _sc_cnt(dstp, zero_nd, ones_nd)
    cn = cnt.reshape(NC, NPAD, D)
    psum1 = _sc_agg(x, srcp, dstp, zero_nd)
    p1 = psum1.reshape(NC, NPAD, D)
    h = _dense1(p1, p1, cn, cn, x, Wl1, Wr1, bl1r)

    psum2 = _sc_agg(h, srcp, dstp, zero_nd)
    p2 = psum2.reshape(NC, NPAD, D)
    return _dense2(p2, p2, cn, cn, h, Wl2, Wr2, bl2r, W3, b3r)

# --- scband reference (transcript-rebuilt; emitter-appended) ---
"""Pipeline reference for scband-drone-delivery-model-89567247991700 (READ-ONLY COPY).

The authoritative reference and input builder live on the scoring server;
editing this copy changes nothing except your own understanding.
"""

import jax, jax.numpy as jnp
import numpy as np

N = 10000
E = 320000
D = 128
N_AGENTS = 10000


def setup_inputs(seed: int = 0) -> dict:
    key = jax.random.key(seed)
    ks = jax.random.split(key, 12)
    x = jax.random.normal(ks[0], (N, D), dtype=jnp.float32)
    edge_index = jax.random.randint(ks[1], (2, E), 0, N, dtype=jnp.int32)
    s = 1.0 / np.sqrt(D)
    # SAGEConv 1: lin_l (neighbors, with bias) + lin_r (root, no bias)
    Wl1 = jax.random.normal(ks[2], (D, D), dtype=jnp.float32) * s
    bl1 = jnp.zeros((D,), dtype=jnp.float32)
    Wr1 = jax.random.normal(ks[3], (D, D), dtype=jnp.float32) * s
    # SAGEConv 2
    Wl2 = jax.random.normal(ks[4], (D, D), dtype=jnp.float32) * s
    bl2 = jnp.zeros((D,), dtype=jnp.float32)
    Wr2 = jax.random.normal(ks[5], (D, D), dtype=jnp.float32) * s
    # Final Linear
    W3 = jax.random.normal(ks[6], (D, D), dtype=jnp.float32) * s
    b3 = jnp.zeros((D,), dtype=jnp.float32)
    return {"x": x, "edge_index": edge_index, "Wl1": Wl1, "bl1": bl1, "Wr1": Wr1,
            "Wl2": Wl2, "bl2": bl2, "Wr2": Wr2, "W3": W3, "b3": b3}


def _sage_conv(x, edge_index, Wl, bl, Wr):
    # PyG SAGEConv with mean aggregation:
    # out = lin_l(mean_{j in N(i)} x_j) + lin_r(x_i)
    src = edge_index[0]
    dst = edge_index[1]
    msg = jnp.take(x, src, axis=0)
    agg_sum = jax.ops.segment_sum(msg, dst, num_segments=N)
    cnt = jax.ops.segment_sum(jnp.ones((msg.shape[0],), dtype=x.dtype), dst, num_segments=N)
    agg = agg_sum / jnp.clip(cnt, 1.0)[:, None]
    return agg @ Wl.T + bl + x @ Wr.T


def reference(x, edge_index, Wl1, bl1, Wr1, Wl2, bl2, Wr2, W3, b3):
    # bounds is None -> no division; model = SAGE -> ReLU -> SAGE -> ReLU -> Linear
    h = _sage_conv(x, edge_index, Wl1, bl1, Wr1)
    h = jax.nn.relu(h)
    h = _sage_conv(h, edge_index, Wl2, bl2, Wr2)
    h = jax.nn.relu(h)
    h = h @ W3.T + b3
    return h[:N_AGENTS]

if __name__ == "__main__":
    import jax
    _d = setup_inputs()
    print(jax.jit(kernel)(*tuple(_d.values())))

</pallas_src>

<mosaic_0001>
#map = affine_map<(d0, d1) -> (0, 0)>
#map1 = affine_map<(d0, d1) -> (0)>
module attributes {stable_mosaic.version = 14 : i64} {
  func.func @_sc_agg_body(%arg0: i32, %arg1: i32, %arg2: memref<10000x128xf32, #tpu.memory_space<hbm>>, %arg3: memref<323584xi32, #tpu.memory_space<hbm>>, %arg4: memref<323584xi32, #tpu.memory_space<hbm>>, %arg5: memref<10240x128xf32, #tpu.memory_space<hbm>>, %arg6: memref<20480x128xf32, #tpu.memory_space<hbm>>, %arg7: memref<10240x128xf32, #tpu.memory_space<vmem_shared>>, %arg8: memref<128xi32, #tpu.memory_space<vmem>>, %arg9: memref<1x128xi32, #tpu.memory_space<vmem>>, %arg10: memref<128x128xf32, #tpu.memory_space<vmem>>, %arg11: memref<!tpu.dma_semaphore, #tpu.memory_space<semaphore_mem>>) attributes {dimension_semantics = [#tpu.dimension_semantics<core_parallel>, #tpu.dimension_semantics<subcore_parallel>], iteration_bounds = array<i64: 2, 16>, scalar_prefetch = 0 : i64, scratch_operands = 5 : i64, tpu.core_type = #tpu.core_type<sc_vector_subcore>, window_params = [{transform_indices = #map}, {transform_indices = #map1}, {transform_indices = #map1}, {transform_indices = #map}, {transform_indices = #map}]} {
    %mul3A = arith.constant 2 : i32
    %mul3A_0 = arith.muli %arg1, %mul3A : i32
    %add3A = arith.addi %mul3A_0, %arg0 : i32
    %mul3A_1 = arith.constant 640 : i32
    %mul3A_2 = arith.muli %arg1, %mul3A_1 : i32
    "tpu.region"() ({
      %run_scoped3A = tpu.sem_alloc : memref<!tpu.dma_semaphore, #tpu.memory_space<semaphore_mem>>
      %dma_start3A = arith.constant 0 : i32
      %dma_start3A_11 = tpu.memref_slice %arg7[%mul3A_2, %dma_start3A] : memref<10240x128xf32, #tpu.memory_space<vmem_shared>> -> memref<640x128xf32, #tpu.memory_space<vmem_shared>>
      %dma_start3A_12 = arith.constant 0 : i32
      %dma_start3A_13 = tpu.memref_slice %arg5[%mul3A_2, %dma_start3A_12] : memref<10240x128xf32, #tpu.memory_space<hbm>> -> memref<640x128xf32, #tpu.memory_space<hbm>>
      tpu.enqueue_dma source(%dma_start3A_13 : memref<640x128xf32, #tpu.memory_space<hbm>>) target(%dma_start3A_11 : memref<640x128xf32, #tpu.memory_space<vmem_shared>>) target_semaphore(%run_scoped3A : memref<!tpu.dma_semaphore, #tpu.memory_space<semaphore_mem>>)
      %dma_wait3A = arith.constant 0 : i32
      %dma_wait3A_14 = tpu.memref_slice %arg7[%mul3A_2, %dma_wait3A] : memref<10240x128xf32, #tpu.memory_space<vmem_shared>> -> memref<640x128xf32, #tpu.memory_space<vmem_shared>>
      %dma_wait3A_15 = arith.constant 0 : i32
      %dma_wait3A_16 = tpu.memref_slice %arg5[%mul3A_2, %dma_wait3A_15] : memref<10240x128xf32, #tpu.memory_space<hbm>> -> memref<640x128xf32, #tpu.memory_space<hbm>>
      tpu.wait_dma2 semaphore(%run_scoped3A : memref<!tpu.dma_semaphore, #tpu.memory_space<semaphore_mem>>) src(%dma_wait3A_16 : memref<640x128xf32, #tpu.memory_space<hbm>>) dst(%dma_wait3A_14 : memref<640x128xf32, #tpu.memory_space<vmem_shared>>)
      tpu.yield
    }) : () -> ()
    %barrier3A = arith.constant 0 : index
    tpu.barrier barrier_id(%barrier3A)
    %scan3A = arith.constant 0 : i32
    %scan3A_3 = arith.constant 79 : i32
    %scan3A_4 = arith.addi %scan3A, %scan3A_3 : i32
    %scan3A_5 = arith.constant 1 : i32
    scf.for %scan3A_11 = %scan3A to %scan3A_4 step %scan3A_5  : i32 {
      %mul3A_12 = arith.constant 1 : i32
      %mul3A_13 = arith.muli %scan3A_11, %mul3A_12 : i32
      %add3A_14 = arith.constant 0 : i32
      %add3A_15 = arith.addi %add3A_14, %mul3A_13 : i32
      %mul3A_16 = arith.constant 32 : i32
      %mul3A_17 = arith.muli %add3A_15, %mul3A_16 : i32
      %add3A_18 = arith.addi %add3A, %mul3A_17 : i32
      %mul3A_19 = arith.constant 128 : i32
      %mul3A_20 = arith.muli %add3A_18, %mul3A_19 : i32
      "tpu.region"() ({
        %run_scoped3A_26 = tpu.sem_alloc : memref<!tpu.dma_semaphore, #tpu.memory_space<semaphore_mem>>
        %dma_start3A_27 = tpu.memref_slice %arg3[%mul3A_20] : memref<323584xi32, #tpu.memory_space<hbm>> -> memref<128xi32, #tpu.memory_space<hbm>>
        %dma_start3A_28 = tpu.memref_slice %arg3[%mul3A_20] : memref<323584xi32, #tpu.memory_space<hbm>> -> memref<128xi32, #tpu.memory_space<hbm>>
        tpu.enqueue_dma source(%dma_start3A_28 : memref<128xi32, #tpu.memory_space<hbm>>) target(%arg8 : memref<128xi32, #tpu.memory_space<vmem>>) target_semaphore(%run_scoped3A_26 : memref<!tpu.dma_semaphore, #tpu.memory_space<semaphore_mem>>)
        %dma_wait3A_29 = tpu.memref_slice %arg3[%mul3A_20] : memref<323584xi32, #tpu.memory_space<hbm>> -> memref<128xi32, #tpu.memory_space<hbm>>
        %dma_wait3A_30 = tpu.memref_slice %arg3[%mul3A_20] : memref<323584xi32, #tpu.memory_space<hbm>> -> memref<128xi32, #tpu.memory_space<hbm>>
        tpu.wait_dma2 semaphore(%run_scoped3A_26 : memref<!tpu.dma_semaphore, #tpu.memory_space<semaphore_mem>>) src(%dma_wait3A_30 : memref<128xi32, #tpu.memory_space<hbm>>) dst(%arg8 : memref<128xi32, #tpu.memory_space<vmem>>)
        tpu.yield
      }) : () -> ()
      %run_scoped3A = arith.constant 0 : i32
      "tpu.region"() ({
        %run_scoped3A_26 = tpu.sem_alloc : memref<!tpu.dma_semaphore, #tpu.memory_space<semaphore_mem>>
        %dma_start3A_27 = arith.constant 0 : i32
        %dma_start3A_28 = tpu.memref_slice %arg9[%run_scoped3A, %dma_start3A_27] : memref<1x128xi32, #tpu.memory_space<vmem>> -> memref<1x128xi32, #tpu.memory_space<vmem>>
        %dma_start3A_29 = tpu.memref_squeeze %dma_start3A_28 : memref<1x128xi32, #tpu.memory_space<vmem>> -> memref<128xi32, #tpu.memory_space<vmem>>
        %dma_start3A_30 = tpu.memref_slice %arg4[%mul3A_20] : memref<323584xi32, #tpu.memory_space<hbm>> -> memref<128xi32, #tpu.memory_space<hbm>>
        %dma_start3A_31 = arith.constant 0 : i32
        %dma_start3A_32 = tpu.memref_slice %arg9[%run_scoped3A, %dma_start3A_31] : memref<1x128xi32, #tpu.memory_space<vmem>> -> memref<1x128xi32, #tpu.memory_space<vmem>>
        %dma_start3A_33 = tpu.memref_squeeze %dma_start3A_32 : memref<1x128xi32, #tpu.memory_space<vmem>> -> memref<128xi32, #tpu.memory_space<vmem>>
        %dma_start3A_34 = tpu.memref_slice %arg4[%mul3A_20] : memref<323584xi32, #tpu.memory_space<hbm>> -> memref<128xi32, #tpu.memory_space<hbm>>
        tpu.enqueue_dma source(%dma_start3A_34 : memref<128xi32, #tpu.memory_space<hbm>>) target(%dma_start3A_33 : memref<128xi32, #tpu.memory_space<vmem>>) target_semaphore(%run_scoped3A_26 : memref<!tpu.dma_semaphore, #tpu.memory_space<semaphore_mem>>)
        %dma_wait3A_35 = arith.constant 0 : i32
        %dma_wait3A_36 = tpu.memref_slice %arg9[%run_scoped3A, %dma_wait3A_35] : memref<1x128xi32, #tpu.memory_space<vmem>> -> memref<1x128xi32, #tpu.memory_space<vmem>>
        %dma_wait3A_37 = tpu.memref_squeeze %dma_wait3A_36 : memref<1x128xi32, #tpu.memory_space<vmem>> -> memref<128xi32, #tpu.memory_space<vmem>>
        %dma_wait3A_38 = tpu.memref_slice %arg4[%mul3A_20] : memref<323584xi32, #tpu.memory_space<hbm>> -> memref<128xi32, #tpu.memory_space<hbm>>
        %dma_wait3A_39 = arith.constant 0 : i32
        %dma_wait3A_40 = tpu.memref_slice %arg9[%run_scoped3A, %dma_wait3A_39] : memref<1x128xi32, #tpu.memory_space<vmem>> -> memref<1x128xi32, #tpu.memory_space<vmem>>
        %dma_wait3A_41 = tpu.memref_squeeze %dma_wait3A_40 : memref<1x128xi32, #tpu.memory_space<vmem>> -> memref<128xi32, #tpu.memory_space<vmem>>
        %dma_wait3A_42 = tpu.memref_slice %arg4[%mul3A_20] : memref<323584xi32, #tpu.memory_space<hbm>> -> memref<128xi32, #tpu.memory_space<hbm>>
        tpu.wait_dma2 semaphore(%run_scoped3A_26 : memref<!tpu.dma_semaphore, #tpu.memory_space<semaphore_mem>>) src(%dma_wait3A_42 : memref<128xi32, #tpu.memory_space<hbm>>) dst(%dma_wait3A_41 : memref<128xi32, #tpu.memory_space<vmem>>)
        tpu.yield
      }) : () -> ()
      %dma_start3A = arith.constant 0 : i32
      %dma_start3A_21 = arith.constant 0 : i32
      %dma_start3A_22 = tpu.memref_slice %arg2[%dma_start3A, %dma_start3A_21] : memref<10000x128xf32, #tpu.memory_space<hbm>> -> memref<10000x128xf32, #tpu.memory_space<hbm>>
      tpu.enqueue_indirect_dma source(%dma_start3A_22 : memref<10000x128xf32, #tpu.memory_space<hbm>>) target(%arg10 : memref<128x128xf32, #tpu.memory_space<vmem>>) offsets(%arg8 : memref<128xi32, #tpu.memory_space<vmem>>) semaphore(%arg11 : memref<!tpu.dma_semaphore, #tpu.memory_space<semaphore_mem>>)
      %dma_wait3A = arith.constant 0 : i32
      %dma_wait3A_23 = arith.constant 0 : i32
      %dma_wait3A_24 = tpu.memref_slice %arg2[%dma_wait3A, %dma_wait3A_23] : memref<10000x128xf32, #tpu.memory_space<hbm>> -> memref<10000x128xf32, #tpu.memory_space<hbm>>
      tpu.wait_indirect_dma semaphore(%arg11 : memref<!tpu.dma_semaphore, #tpu.memory_space<semaphore_mem>>) src(%dma_wait3A_24 : memref<10000x128xf32, #tpu.memory_space<hbm>>) dst(%arg10 : memref<128x128xf32, #tpu.memory_space<vmem>>)
      %run_scoped3A_25 = arith.constant 0 : i32
      "tpu.region"() ({
        %run_scoped3A_26 = tpu.sem_alloc : memref<!tpu.dma_semaphore, #tpu.memory_space<semaphore_mem>>
        %dma_start3A_27 = arith.constant 0 : i32
        %dma_start3A_28 = tpu.memref_slice %arg9[%run_scoped3A_25, %dma_start3A_27] : memref<1x128xi32, #tpu.memory_space<vmem>> -> memref<1x128xi32, #tpu.memory_space<vmem>>
        %dma_start3A_29 = tpu.memref_squeeze %dma_start3A_28 : memref<1x128xi32, #tpu.memory_space<vmem>> -> memref<128xi32, #tpu.memory_space<vmem>>
        %dma_start3A_30 = arith.constant 0 : i32
        %dma_start3A_31 = arith.constant 0 : i32
        %dma_start3A_32 = tpu.memref_slice %arg7[%dma_start3A_30, %dma_start3A_31] : memref<10240x128xf32, #tpu.memory_space<vmem_shared>> -> memref<10240x128xf32, #tpu.memory_space<vmem_shared>>
        tpu.enqueue_indirect_dma source(%arg10 : memref<128x128xf32, #tpu.memory_space<vmem>>) target(%dma_start3A_32 : memref<10240x128xf32, #tpu.memory_space<vmem_shared>>) offsets(%dma_start3A_29 : memref<128xi32, #tpu.memory_space<vmem>>) semaphore(%run_scoped3A_26 : memref<!tpu.dma_semaphore, #tpu.memory_space<semaphore_mem>>) {add = true}
        %dma_wait3A_33 = arith.constant 0 : i32
        %dma_wait3A_34 = tpu.memref_slice %arg9[%run_scoped3A_25, %dma_wait3A_33] : memref<1x128xi32, #tpu.memory_space<vmem>> -> memref<1x128xi32, #tpu.memory_space<vmem>>
        %dma_wait3A_35 = tpu.memref_squeeze %dma_wait3A_34 : memref<1x128xi32, #tpu.memory_space<vmem>> -> memref<128xi32, #tpu.memory_space<vmem>>
        %dma_wait3A_36 = arith.constant 0 : i32
        %dma_wait3A_37 = arith.constant 0 : i32
        %dma_wait3A_38 = tpu.memref_slice %arg7[%dma_wait3A_36, %dma_wait3A_37] : memref<10240x128xf32, #tpu.memory_space<vmem_shared>> -> memref<10240x128xf32, #tpu.memory_space<vmem_shared>>
        tpu.wait_indirect_dma semaphore(%run_scoped3A_26 : memref<!tpu.dma_semaphore, #tpu.memory_space<semaphore_mem>>) src(%arg10 : memref<128x128xf32, #tpu.memory_space<vmem>>) dst(%dma_wait3A_38 : memref<10240x128xf32, #tpu.memory_space<vmem_shared>>)
        tpu.yield
      }) : () -> ()
    }
    %scan3A_6 = arith.constant 79 : i32
    %barrier3A_7 = arith.constant 0 : index
    tpu.barrier barrier_id(%barrier3A_7)
    %mul3A_8 = arith.constant 10240 : i32
    %mul3A_9 = arith.muli %arg0, %mul3A_8 : i32
    %add3A_10 = arith.addi %mul3A_9, %mul3A_2 : i32
    "tpu.region"() ({
      %run_scoped3A = tpu.sem_alloc : memref<!tpu.dma_semaphore, #tpu.memory_space<semaphore_mem>>
      %dma_start3A = arith.constant 0 : i32
      %dma_start3A_11 = tpu.memref_slice %arg6[%add3A_10, %dma_start3A] : memref<20480x128xf32, #tpu.memory_space<hbm>> -> memref<640x128xf32, #tpu.memory_space<hbm>>
      %dma_start3A_12 = arith.constant 0 : i32
      %dma_start3A_13 = tpu.memref_slice %arg7[%mul3A_2, %dma_start3A_12] : memref<10240x128xf32, #tpu.memory_space<vmem_shared>> -> memref<640x128xf32, #tpu.memory_space<vmem_shared>>
      tpu.enqueue_dma source(%dma_start3A_13 : memref<640x128xf32, #tpu.memory_space<vmem_shared>>) target(%dma_start3A_11 : memref<640x128xf32, #tpu.memory_space<hbm>>) target_semaphore(%run_scoped3A : memref<!tpu.dma_semaphore, #tpu.memory_space<semaphore_mem>>)
      %dma_wait3A = arith.constant 0 : i32
      %dma_wait3A_14 = tpu.memref_slice %arg6[%add3A_10, %dma_wait3A] : memref<20480x128xf32, #tpu.memory_space<hbm>> -> memref<640x128xf32, #tpu.memory_space<hbm>>
      %dma_wait3A_15 = arith.constant 0 : i32
      %dma_wait3A_16 = tpu.memref_slice %arg7[%mul3A_2, %dma_wait3A_15] : memref<10240x128xf32, #tpu.memory_space<vmem_shared>> -> memref<640x128xf32, #tpu.memory_space<vmem_shared>>
      tpu.wait_dma2 semaphore(%run_scoped3A : memref<!tpu.dma_semaphore, #tpu.memory_space<semaphore_mem>>) src(%dma_wait3A_16 : memref<640x128xf32, #tpu.memory_space<vmem_shared>>) dst(%dma_wait3A_14 : memref<640x128xf32, #tpu.memory_space<hbm>>)
      tpu.yield
    }) : () -> ()
    return
  }
}

#map = affine_map<(d0, d1) -> (0)>
#map1 = affine_map<(d0, d1) -> (0, 0)>
module attributes {stable_mosaic.version = 14 : i64} {
  func.func @_sc_cnt_body(%arg0: i32, %arg1: i32, %arg2: memref<323584xi32, #tpu.memory_space<hbm>>, %arg3: memref<10240x128xf32, #tpu.memory_space<hbm>>, %arg4: memref<128x128xf32, #tpu.memory_space<hbm>>, %arg5: memref<20480x128xf32, #tpu.memory_space<hbm>>, %arg6: memref<10240x128xf32, #tpu.memory_space<vmem_shared>>, %arg7: memref<1x128xi32, #tpu.memory_space<vmem>>, %arg8: memref<128x128xf32, #tpu.memory_space<vmem>>) attributes {dimension_semantics = [#tpu.dimension_semantics<core_parallel>, #tpu.dimension_semantics<subcore_parallel>], iteration_bounds = array<i64: 2, 16>, scalar_prefetch = 0 : i64, scratch_operands = 3 : i64, tpu.core_type = #tpu.core_type<sc_vector_subcore>, window_params = [{transform_indices = #map}, {transform_indices = #map1}, {transform_indices = #map1}, {transform_indices = #map1}]} {
    %mul3A = arith.constant 2 : i32
    %mul3A_0 = arith.muli %arg1, %mul3A : i32
    %add3A = arith.addi %mul3A_0, %arg0 : i32
    %mul3A_1 = arith.constant 640 : i32
    %mul3A_2 = arith.muli %arg1, %mul3A_1 : i32
    "tpu.region"() ({
      %run_scoped3A = tpu.sem_alloc : memref<!tpu.dma_semaphore, #tpu.memory_space<semaphore_mem>>
      %dma_start3A = arith.constant 0 : i32
      %dma_start3A_11 = tpu.memref_slice %arg6[%mul3A_2, %dma_start3A] : memref<10240x128xf32, #tpu.memory_space<vmem_shared>> -> memref<640x128xf32, #tpu.memory_space<vmem_shared>>
      %dma_start3A_12 = arith.constant 0 : i32
      %dma_start3A_13 = tpu.memref_slice %arg3[%mul3A_2, %dma_start3A_12] : memref<10240x128xf32, #tpu.memory_space<hbm>> -> memref<640x128xf32, #tpu.memory_space<hbm>>
      tpu.enqueue_dma source(%dma_start3A_13 : memref<640x128xf32, #tpu.memory_space<hbm>>) target(%dma_start3A_11 : memref<640x128xf32, #tpu.memory_space<vmem_shared>>) target_semaphore(%run_scoped3A : memref<!tpu.dma_semaphore, #tpu.memory_space<semaphore_mem>>)
      %dma_wait3A = arith.constant 0 : i32
      %dma_wait3A_14 = tpu.memref_slice %arg6[%mul3A_2, %dma_wait3A] : memref<10240x128xf32, #tpu.memory_space<vmem_shared>> -> memref<640x128xf32, #tpu.memory_space<vmem_shared>>
      %dma_wait3A_15 = arith.constant 0 : i32
      %dma_wait3A_16 = tpu.memref_slice %arg3[%mul3A_2, %dma_wait3A_15] : memref<10240x128xf32, #tpu.memory_space<hbm>> -> memref<640x128xf32, #tpu.memory_space<hbm>>
      tpu.wait_dma2 semaphore(%run_scoped3A : memref<!tpu.dma_semaphore, #tpu.memory_space<semaphore_mem>>) src(%dma_wait3A_16 : memref<640x128xf32, #tpu.memory_space<hbm>>) dst(%dma_wait3A_14 : memref<640x128xf32, #tpu.memory_space<vmem_shared>>)
      tpu.yield
    }) : () -> ()
    "tpu.region"() ({
      %run_scoped3A = tpu.sem_alloc : memref<!tpu.dma_semaphore, #tpu.memory_space<semaphore_mem>>
      tpu.enqueue_dma source(%arg4 : memref<128x128xf32, #tpu.memory_space<hbm>>) target(%arg8 : memref<128x128xf32, #tpu.memory_space<vmem>>) target_semaphore(%run_scoped3A : memref<!tpu.dma_semaphore, #tpu.memory_space<semaphore_mem>>)
      tpu.wait_dma2 semaphore(%run_scoped3A : memref<!tpu.dma_semaphore, #tpu.memory_space<semaphore_mem>>) src(%arg4 : memref<128x128xf32, #tpu.memory_space<hbm>>) dst(%arg8 : memref<128x128xf32, #tpu.memory_space<vmem>>)
      tpu.yield
    }) : () -> ()
    %barrier3A = arith.constant 0 : index
    tpu.barrier barrier_id(%barrier3A)
    %scan3A = arith.constant 0 : i32
    %scan3A_3 = arith.constant 79 : i32
    %scan3A_4 = arith.addi %scan3A, %scan3A_3 : i32
    %scan3A_5 = arith.constant 1 : i32
    scf.for %scan3A_11 = %scan3A to %scan3A_4 step %scan3A_5  : i32 {
      %mul3A_12 = arith.constant 1 : i32
      %mul3A_13 = arith.muli %scan3A_11, %mul3A_12 : i32
      %add3A_14 = arith.constant 0 : i32
      %add3A_15 = arith.addi %add3A_14, %mul3A_13 : i32
      %mul3A_16 = arith.constant 32 : i32
      %mul3A_17 = arith.muli %add3A_15, %mul3A_16 : i32
      %add3A_18 = arith.addi %add3A, %mul3A_17 : i32
      %mul3A_19 = arith.constant 128 : i32
      %mul3A_20 = arith.muli %add3A_18, %mul3A_19 : i32
      %run_scoped3A = arith.constant 0 : i32
      "tpu.region"() ({
        %run_scoped3A_22 = tpu.sem_alloc : memref<!tpu.dma_semaphore, #tpu.memory_space<semaphore_mem>>
        %dma_start3A = arith.constant 0 : i32
        %dma_start3A_23 = tpu.memref_slice %arg7[%run_scoped3A, %dma_start3A] : memref<1x128xi32, #tpu.memory_space<vmem>> -> memref<1x128xi32, #tpu.memory_space<vmem>>
        %dma_start3A_24 = tpu.memref_squeeze %dma_start3A_23 : memref<1x128xi32, #tpu.memory_space<vmem>> -> memref<128xi32, #tpu.memory_space<vmem>>
        %dma_start3A_25 = tpu.memref_slice %arg2[%mul3A_20] : memref<323584xi32, #tpu.memory_space<hbm>> -> memref<128xi32, #tpu.memory_space<hbm>>
        %dma_start3A_26 = arith.constant 0 : i32
        %dma_start3A_27 = tpu.memref_slice %arg7[%run_scoped3A, %dma_start3A_26] : memref<1x128xi32, #tpu.memory_space<vmem>> -> memref<1x128xi32, #tpu.memory_space<vmem>>
        %dma_start3A_28 = tpu.memref_squeeze %dma_start3A_27 : memref<1x128xi32, #tpu.memory_space<vmem>> -> memref<128xi32, #tpu.memory_space<vmem>>
        %dma_start3A_29 = tpu.memref_slice %arg2[%mul3A_20] : memref<323584xi32, #tpu.memory_space<hbm>> -> memref<128xi32, #tpu.memory_space<hbm>>
        tpu.enqueue_dma source(%dma_start3A_29 : memref<128xi32, #tpu.memory_space<hbm>>) target(%dma_start3A_28 : memref<128xi32, #tpu.memory_space<vmem>>) target_semaphore(%run_scoped3A_22 : memref<!tpu.dma_semaphore, #tpu.memory_space<semaphore_mem>>)
        %dma_wait3A = arith.constant 0 : i32
        %dma_wait3A_30 = tpu.memref_slice %arg7[%run_scoped3A, %dma_wait3A] : memref<1x128xi32, #tpu.memory_space<vmem>> -> memref<1x128xi32, #tpu.memory_space<vmem>>
        %dma_wait3A_31 = tpu.memref_squeeze %dma_wait3A_30 : memref<1x128xi32, #tpu.memory_space<vmem>> -> memref<128xi32, #tpu.memory_space<vmem>>
        %dma_wait3A_32 = tpu.memref_slice %arg2[%mul3A_20] : memref<323584xi32, #tpu.memory_space<hbm>> -> memref<128xi32, #tpu.memory_space<hbm>>
        %dma_wait3A_33 = arith.constant 0 : i32
        %dma_wait3A_34 = tpu.memref_slice %arg7[%run_scoped3A, %dma_wait3A_33] : memref<1x128xi32, #tpu.memory_space<vmem>> -> memref<1x128xi32, #tpu.memory_space<vmem>>
        %dma_wait3A_35 = tpu.memref_squeeze %dma_wait3A_34 : memref<1x128xi32, #tpu.memory_space<vmem>> -> memref<128xi32, #tpu.memory_space<vmem>>
        %dma_wait3A_36 = tpu.memref_slice %arg2[%mul3A_20] : memref<323584xi32, #tpu.memory_space<hbm>> -> memref<128xi32, #tpu.memory_space<hbm>>
        tpu.wait_dma2 semaphore(%run_scoped3A_22 : memref<!tpu.dma_semaphore, #tpu.memory_space<semaphore_mem>>) src(%dma_wait3A_36 : memref<128xi32, #tpu.memory_space<hbm>>) dst(%dma_wait3A_35 : memref<128xi32, #tpu.memory_space<vmem>>)
        tpu.yield
      }) : () -> ()
      %run_scoped3A_21 = arith.constant 0 : i32
      "tpu.region"() ({
        %run_scoped3A_22 = tpu.sem_alloc : memref<!tpu.dma_semaphore, #tpu.memory_space<semaphore_mem>>
        %dma_start3A = arith.constant 0 : i32
        %dma_start3A_23 = tpu.memref_slice %arg7[%run_scoped3A_21, %dma_start3A] : memref<1x128xi32, #tpu.memory_space<vmem>> -> memref<1x128xi32, #tpu.memory_space<vmem>>
        %dma_start3A_24 = tpu.memref_squeeze %dma_start3A_23 : memref<1x128xi32, #tpu.memory_space<vmem>> -> memref<128xi32, #tpu.memory_space<vmem>>
        %dma_start3A_25 = arith.constant 0 : i32
        %dma_start3A_26 = arith.constant 0 : i32
        %dma_start3A_27 = tpu.memref_slice %arg6[%dma_start3A_25, %dma_start3A_26] : memref<10240x128xf32, #tpu.memory_space<vmem_shared>> -> memref<10240x128xf32, #tpu.memory_space<vmem_shared>>
        tpu.enqueue_indirect_dma source(%arg8 : memref<128x128xf32, #tpu.memory_space<vmem>>) target(%dma_start3A_27 : memref<10240x128xf32, #tpu.memory_space<vmem_shared>>) offsets(%dma_start3A_24 : memref<128xi32, #tpu.memory_space<vmem>>) semaphore(%run_scoped3A_22 : memref<!tpu.dma_semaphore, #tpu.memory_space<semaphore_mem>>) {add = true}
        %dma_wait3A = arith.constant 0 : i32
        %dma_wait3A_28 = tpu.memref_slice %arg7[%run_scoped3A_21, %dma_wait3A] : memref<1x128xi32, #tpu.memory_space<vmem>> -> memref<1x128xi32, #tpu.memory_space<vmem>>
        %dma_wait3A_29 = tpu.memref_squeeze %dma_wait3A_28 : memref<1x128xi32, #tpu.memory_space<vmem>> -> memref<128xi32, #tpu.memory_space<vmem>>
        %dma_wait3A_30 = arith.constant 0 : i32
        %dma_wait3A_31 = arith.constant 0 : i32
        %dma_wait3A_32 = tpu.memref_slice %arg6[%dma_wait3A_30, %dma_wait3A_31] : memref<10240x128xf32, #tpu.memory_space<vmem_shared>> -> memref<10240x128xf32, #tpu.memory_space<vmem_shared>>
        tpu.wait_indirect_dma semaphore(%run_scoped3A_22 : memref<!tpu.dma_semaphore, #tpu.memory_space<semaphore_mem>>) src(%arg8 : memref<128x128xf32, #tpu.memory_space<vmem>>) dst(%dma_wait3A_32 : memref<10240x128xf32, #tpu.memory_space<vmem_shared>>)
        tpu.yield
      }) : () -> ()
    }
    %scan3A_6 = arith.constant 79 : i32
    %barrier3A_7 = arith.constant 0 : index
    tpu.barrier barrier_id(%barrier3A_7)
    %mul3A_8 = arith.constant 10240 : i32
    %mul3A_9 = arith.muli %arg0, %mul3A_8 : i32
    %add3A_10 = arith.addi %mul3A_9, %mul3A_2 : i32
    "tpu.region"() ({
      %run_scoped3A = tpu.sem_alloc : memref<!tpu.dma_semaphore, #tpu.memory_space<semaphore_mem>>
      %dma_start3A = arith.constant 0 : i32
      %dma_start3A_11 = tpu.memref_slice %arg5[%add3A_10, %dma_start3A] : memref<20480x128xf32, #tpu.memory_space<hbm>> -> memref<640x128xf32, #tpu.memory_space<hbm>>
      %dma_start3A_12 = arith.constant 0 : i32
      %dma_start3A_13 = tpu.memref_slice %arg6[%mul3A_2, %dma_start3A_12] : memref<10240x128xf32, #tpu.memory_space<vmem_shared>> -> memref<640x128xf32, #tpu.memory_space<vmem_shared>>
      tpu.enqueue_dma source(%dma_start3A_13 : memref<640x128xf32, #tpu.memory_space<vmem_shared>>) target(%dma_start3A_11 : memref<640x128xf32, #tpu.memory_space<hbm>>) target_semaphore(%run_scoped3A : memref<!tpu.dma_semaphore, #tpu.memory_space<semaphore_mem>>)
      %dma_wait3A = arith.constant 0 : i32
      %dma_wait3A_14 = tpu.memref_slice %arg5[%add3A_10, %dma_wait3A] : memref<20480x128xf32, #tpu.memory_space<hbm>> -> memref<640x128xf32, #tpu.memory_space<hbm>>
      %dma_wait3A_15 = arith.constant 0 : i32
      %dma_wait3A_16 = tpu.memref_slice %arg6[%mul3A_2, %dma_wait3A_15] : memref<10240x128xf32, #tpu.memory_space<vmem_shared>> -> memref<640x128xf32, #tpu.memory_space<vmem_shared>>
      tpu.wait_dma2 semaphore(%run_scoped3A : memref<!tpu.dma_semaphore, #tpu.memory_space<semaphore_mem>>) src(%dma_wait3A_16 : memref<640x128xf32, #tpu.memory_space<vmem_shared>>) dst(%dma_wait3A_14 : memref<640x128xf32, #tpu.memory_space<hbm>>)
      tpu.yield
    }) : () -> ()
    return
  }
}

#map = affine_map<(d0, d1) -> (0, 0)>
#map1 = affine_map<(d0, d1) -> (0)>
module attributes {stable_mosaic.version = 14 : i64} {
  func.func @_sc_agg_body(%arg0: i32, %arg1: i32, %arg2: memref<10000x128xf32, #tpu.memory_space<hbm>>, %arg3: memref<323584xi32, #tpu.memory_space<hbm>>, %arg4: memref<323584xi32, #tpu.memory_space<hbm>>, %arg5: memref<10240x128xf32, #tpu.memory_space<hbm>>, %arg6: memref<20480x128xf32, #tpu.memory_space<hbm>>, %arg7: memref<10240x128xf32, #tpu.memory_space<vmem_shared>>, %arg8: memref<128xi32, #tpu.memory_space<vmem>>, %arg9: memref<1x128xi32, #tpu.memory_space<vmem>>, %arg10: memref<128x128xf32, #tpu.memory_space<vmem>>, %arg11: memref<!tpu.dma_semaphore, #tpu.memory_space<semaphore_mem>>) attributes {dimension_semantics = [#tpu.dimension_semantics<core_parallel>, #tpu.dimension_semantics<subcore_parallel>], iteration_bounds = array<i64: 2, 16>, scalar_prefetch = 0 : i64, scratch_operands = 5 : i64, tpu.core_type = #tpu.core_type<sc_vector_subcore>, window_params = [{transform_indices = #map}, {transform_indices = #map1}, {transform_indices = #map1}, {transform_indices = #map}, {transform_indices = #map}]} {
    %mul3A = arith.constant 2 : i32
    %mul3A_0 = arith.muli %arg1, %mul3A : i32
    %add3A = arith.addi %mul3A_0, %arg0 : i32
    %mul3A_1 = arith.constant 640 : i32
    %mul3A_2 = arith.muli %arg1, %mul3A_1 : i32
    "tpu.region"() ({
      %run_scoped3A = tpu.sem_alloc : memref<!tpu.dma_semaphore, #tpu.memory_space<semaphore_mem>>
      %dma_start3A = arith.constant 0 : i32
      %dma_start3A_11 = tpu.memref_slice %arg7[%mul3A_2, %dma_start3A] : memref<10240x128xf32, #tpu.memory_space<vmem_shared>> -> memref<640x128xf32, #tpu.memory_space<vmem_shared>>
      %dma_start3A_12 = arith.constant 0 : i32
      %dma_start3A_13 = tpu.memref_slice %arg5[%mul3A_2, %dma_start3A_12] : memref<10240x128xf32, #tpu.memory_space<hbm>> -> memref<640x128xf32, #tpu.memory_space<hbm>>
      tpu.enqueue_dma source(%dma_start3A_13 : memref<640x128xf32, #tpu.memory_space<hbm>>) target(%dma_start3A_11 : memref<640x128xf32, #tpu.memory_space<vmem_shared>>) target_semaphore(%run_scoped3A : memref<!tpu.dma_semaphore, #tpu.memory_space<semaphore_mem>>)
      %dma_wait3A = arith.constant 0 : i32
      %dma_wait3A_14 = tpu.memref_slice %arg7[%mul3A_2, %dma_wait3A] : memref<10240x128xf32, #tpu.memory_space<vmem_shared>> -> memref<640x128xf32, #tpu.memory_space<vmem_shared>>
      %dma_wait3A_15 = arith.constant 0 : i32
      %dma_wait3A_16 = tpu.memref_slice %arg5[%mul3A_2, %dma_wait3A_15] : memref<10240x128xf32, #tpu.memory_space<hbm>> -> memref<640x128xf32, #tpu.memory_space<hbm>>
      tpu.wait_dma2 semaphore(%run_scoped3A : memref<!tpu.dma_semaphore, #tpu.memory_space<semaphore_mem>>) src(%dma_wait3A_16 : memref<640x128xf32, #tpu.memory_space<hbm>>) dst(%dma_wait3A_14 : memref<640x128xf32, #tpu.memory_space<vmem_shared>>)
      tpu.yield
    }) : () -> ()
    %barrier3A = arith.constant 0 : index
    tpu.barrier barrier_id(%barrier3A)
    %scan3A = arith.constant 0 : i32
    %scan3A_3 = arith.constant 79 : i32
    %scan3A_4 = arith.addi %scan3A, %scan3A_3 : i32
    %scan3A_5 = arith.constant 1 : i32
    scf.for %scan3A_11 = %scan3A to %scan3A_4 step %scan3A_5  : i32 {
      %mul3A_12 = arith.constant 1 : i32
      %mul3A_13 = arith.muli %scan3A_11, %mul3A_12 : i32
      %add3A_14 = arith.constant 0 : i32
      %add3A_15 = arith.addi %add3A_14, %mul3A_13 : i32
      %mul3A_16 = arith.constant 32 : i32
      %mul3A_17 = arith.muli %add3A_15, %mul3A_16 : i32
      %add3A_18 = arith.addi %add3A, %mul3A_17 : i32
      %mul3A_19 = arith.constant 128 : i32
      %mul3A_20 = arith.muli %add3A_18, %mul3A_19 : i32
      "tpu.region"() ({
        %run_scoped3A_26 = tpu.sem_alloc : memref<!tpu.dma_semaphore, #tpu.memory_space<semaphore_mem>>
        %dma_start3A_27 = tpu.memref_slice %arg3[%mul3A_20] : memref<323584xi32, #tpu.memory_space<hbm>> -> memref<128xi32, #tpu.memory_space<hbm>>
        %dma_start3A_28 = tpu.memref_slice %arg3[%mul3A_20] : memref<323584xi32, #tpu.memory_space<hbm>> -> memref<128xi32, #tpu.memory_space<hbm>>
        tpu.enqueue_dma source(%dma_start3A_28 : memref<128xi32, #tpu.memory_space<hbm>>) target(%arg8 : memref<128xi32, #tpu.memory_space<vmem>>) target_semaphore(%run_scoped3A_26 : memref<!tpu.dma_semaphore, #tpu.memory_space<semaphore_mem>>)
        %dma_wait3A_29 = tpu.memref_slice %arg3[%mul3A_20] : memref<323584xi32, #tpu.memory_space<hbm>> -> memref<128xi32, #tpu.memory_space<hbm>>
        %dma_wait3A_30 = tpu.memref_slice %arg3[%mul3A_20] : memref<323584xi32, #tpu.memory_space<hbm>> -> memref<128xi32, #tpu.memory_space<hbm>>
        tpu.wait_dma2 semaphore(%run_scoped3A_26 : memref<!tpu.dma_semaphore, #tpu.memory_space<semaphore_mem>>) src(%dma_wait3A_30 : memref<128xi32, #tpu.memory_space<hbm>>) dst(%arg8 : memref<128xi32, #tpu.memory_space<vmem>>)
        tpu.yield
      }) : () -> ()
      %run_scoped3A = arith.constant 0 : i32
      "tpu.region"() ({
        %run_scoped3A_26 = tpu.sem_alloc : memref<!tpu.dma_semaphore, #tpu.memory_space<semaphore_mem>>
        %dma_start3A_27 = arith.constant 0 : i32
        %dma_start3A_28 = tpu.memref_slice %arg9[%run_scoped3A, %dma_start3A_27] : memref<1x128xi32, #tpu.memory_space<vmem>> -> memref<1x128xi32, #tpu.memory_space<vmem>>
        %dma_start3A_29 = tpu.memref_squeeze %dma_start3A_28 : memref<1x128xi32, #tpu.memory_space<vmem>> -> memref<128xi32, #tpu.memory_space<vmem>>
        %dma_start3A_30 = tpu.memref_slice %arg4[%mul3A_20] : memref<323584xi32, #tpu.memory_space<hbm>> -> memref<128xi32, #tpu.memory_space<hbm>>
        %dma_start3A_31 = arith.constant 0 : i32
        %dma_start3A_32 = tpu.memref_slice %arg9[%run_scoped3A, %dma_start3A_31] : memref<1x128xi32, #tpu.memory_space<vmem>> -> memref<1x128xi32, #tpu.memory_space<vmem>>
        %dma_start3A_33 = tpu.memref_squeeze %dma_start3A_32 : memref<1x128xi32, #tpu.memory_space<vmem>> -> memref<128xi32, #tpu.memory_space<vmem>>
        %dma_start3A_34 = tpu.memref_slice %arg4[%mul3A_20] : memref<323584xi32, #tpu.memory_space<hbm>> -> memref<128xi32, #tpu.memory_space<hbm>>
        tpu.enqueue_dma source(%dma_start3A_34 : memref<128xi32, #tpu.memory_space<hbm>>) target(%dma_start3A_33 : memref<128xi32, #tpu.memory_space<vmem>>) target_semaphore(%run_scoped3A_26 : memref<!tpu.dma_semaphore, #tpu.memory_space<semaphore_mem>>)
        %dma_wait3A_35 = arith.constant 0 : i32
        %dma_wait3A_36 = tpu.memref_slice %arg9[%run_scoped3A, %dma_wait3A_35] : memref<1x128xi32, #tpu.memory_space<vmem>> -> memref<1x128xi32, #tpu.memory_space<vmem>>
        %dma_wait3A_37 = tpu.memref_squeeze %dma_wait3A_36 : memref<1x128xi32, #tpu.memory_space<vmem>> -> memref<128xi32, #tpu.memory_space<vmem>>
        %dma_wait3A_38 = tpu.memref_slice %arg4[%mul3A_20] : memref<323584xi32, #tpu.memory_space<hbm>> -> memref<128xi32, #tpu.memory_space<hbm>>
        %dma_wait3A_39 = arith.constant 0 : i32
        %dma_wait3A_40 = tpu.memref_slice %arg9[%run_scoped3A, %dma_wait3A_39] : memref<1x128xi32, #tpu.memory_space<vmem>> -> memref<1x128xi32, #tpu.memory_space<vmem>>
        %dma_wait3A_41 = tpu.memref_squeeze %dma_wait3A_40 : memref<1x128xi32, #tpu.memory_space<vmem>> -> memref<128xi32, #tpu.memory_space<vmem>>
        %dma_wait3A_42 = tpu.memref_slice %arg4[%mul3A_20] : memref<323584xi32, #tpu.memory_space<hbm>> -> memref<128xi32, #tpu.memory_space<hbm>>
        tpu.wait_dma2 semaphore(%run_scoped3A_26 : memref<!tpu.dma_semaphore, #tpu.memory_space<semaphore_mem>>) src(%dma_wait3A_42 : memref<128xi32, #tpu.memory_space<hbm>>) dst(%dma_wait3A_41 : memref<128xi32, #tpu.memory_space<vmem>>)
        tpu.yield
      }) : () -> ()
      %dma_start3A = arith.constant 0 : i32
      %dma_start3A_21 = arith.constant 0 : i32
      %dma_start3A_22 = tpu.memref_slice %arg2[%dma_start3A, %dma_start3A_21] : memref<10000x128xf32, #tpu.memory_space<hbm>> -> memref<10000x128xf32, #tpu.memory_space<hbm>>
      tpu.enqueue_indirect_dma source(%dma_start3A_22 : memref<10000x128xf32, #tpu.memory_space<hbm>>) target(%arg10 : memref<128x128xf32, #tpu.memory_space<vmem>>) offsets(%arg8 : memref<128xi32, #tpu.memory_space<vmem>>) semaphore(%arg11 : memref<!tpu.dma_semaphore, #tpu.memory_space<semaphore_mem>>)
      %dma_wait3A = arith.constant 0 : i32
      %dma_wait3A_23 = arith.constant 0 : i32
      %dma_wait3A_24 = tpu.memref_slice %arg2[%dma_wait3A, %dma_wait3A_23] : memref<10000x128xf32, #tpu.memory_space<hbm>> -> memref<10000x128xf32, #tpu.memory_space<hbm>>
      tpu.wait_indirect_dma semaphore(%arg11 : memref<!tpu.dma_semaphore, #tpu.memory_space<semaphore_mem>>) src(%dma_wait3A_24 : memref<10000x128xf32, #tpu.memory_space<hbm>>) dst(%arg10 : memref<128x128xf32, #tpu.memory_space<vmem>>)
      %run_scoped3A_25 = arith.constant 0 : i32
      "tpu.region"() ({
        %run_scoped3A_26 = tpu.sem_alloc : memref<!tpu.dma_semaphore, #tpu.memory_space<semaphore_mem>>
        %dma_start3A_27 = arith.constant 0 : i32
        %dma_start3A_28 = tpu.memref_slice %arg9[%run_scoped3A_25, %dma_start3A_27] : memref<1x128xi32, #tpu.memory_space<vmem>> -> memref<1x128xi32, #tpu.memory_space<vmem>>
        %dma_start3A_29 = tpu.memref_squeeze %dma_start3A_28 : memref<1x128xi32, #tpu.memory_space<vmem>> -> memref<128xi32, #tpu.memory_space<vmem>>
        %dma_start3A_30 = arith.constant 0 : i32
        %dma_start3A_31 = arith.constant 0 : i32
        %dma_start3A_32 = tpu.memref_slice %arg7[%dma_start3A_30, %dma_start3A_31] : memref<10240x128xf32, #tpu.memory_space<vmem_shared>> -> memref<10240x128xf32, #tpu.memory_space<vmem_shared>>
        tpu.enqueue_indirect_dma source(%arg10 : memref<128x128xf32, #tpu.memory_space<vmem>>) target(%dma_start3A_32 : memref<10240x128xf32, #tpu.memory_space<vmem_shared>>) offsets(%dma_start3A_29 : memref<128xi32, #tpu.memory_space<vmem>>) semaphore(%run_scoped3A_26 : memref<!tpu.dma_semaphore, #tpu.memory_space<semaphore_mem>>) {add = true}
        %dma_wait3A_33 = arith.constant 0 : i32
        %dma_wait3A_34 = tpu.memref_slice %arg9[%run_scoped3A_25, %dma_wait3A_33] : memref<1x128xi32, #tpu.memory_space<vmem>> -> memref<1x128xi32, #tpu.memory_space<vmem>>
        %dma_wait3A_35 = tpu.memref_squeeze %dma_wait3A_34 : memref<1x128xi32, #tpu.memory_space<vmem>> -> memref<128xi32, #tpu.memory_space<vmem>>
        %dma_wait3A_36 = arith.constant 0 : i32
        %dma_wait3A_37 = arith.constant 0 : i32
        %dma_wait3A_38 = tpu.memref_slice %arg7[%dma_wait3A_36, %dma_wait3A_37] : memref<10240x128xf32, #tpu.memory_space<vmem_shared>> -> memref<10240x128xf32, #tpu.memory_space<vmem_shared>>
        tpu.wait_indirect_dma semaphore(%run_scoped3A_26 : memref<!tpu.dma_semaphore, #tpu.memory_space<semaphore_mem>>) src(%arg10 : memref<128x128xf32, #tpu.memory_space<vmem>>) dst(%dma_wait3A_38 : memref<10240x128xf32, #tpu.memory_space<vmem_shared>>)
        tpu.yield
      }) : () -> ()
    }
    %scan3A_6 = arith.constant 79 : i32
    %barrier3A_7 = arith.constant 0 : index
    tpu.barrier barrier_id(%barrier3A_7)
    %mul3A_8 = arith.constant 10240 : i32
    %mul3A_9 = arith.muli %arg0, %mul3A_8 : i32
    %add3A_10 = arith.addi %mul3A_9, %mul3A_2 : i32
    "tpu.region"() ({
      %run_scoped3A = tpu.sem_alloc : memref<!tpu.dma_semaphore, #tpu.memory_space<semaphore_mem>>
      %dma_start3A = arith.constant 0 : i32
      %dma_start3A_11 = tpu.memref_slice %arg6[%add3A_10, %dma_start3A] : memref<20480x128xf32, #tpu.memory_space<hbm>> -> memref<640x128xf32, #tpu.memory_space<hbm>>
      %dma_start3A_12 = arith.constant 0 : i32
      %dma_start3A_13 = tpu.memref_slice %arg7[%mul3A_2, %dma_start3A_12] : memref<10240x128xf32, #tpu.memory_space<vmem_shared>> -> memref<640x128xf32, #tpu.memory_space<vmem_shared>>
      tpu.enqueue_dma source(%dma_start3A_13 : memref<640x128xf32, #tpu.memory_space<vmem_shared>>) target(%dma_start3A_11 : memref<640x128xf32, #tpu.memory_space<hbm>>) target_semaphore(%run_scoped3A : memref<!tpu.dma_semaphore, #tpu.memory_space<semaphore_mem>>)
      %dma_wait3A = arith.constant 0 : i32
      %dma_wait3A_14 = tpu.memref_slice %arg6[%add3A_10, %dma_wait3A] : memref<20480x128xf32, #tpu.memory_space<hbm>> -> memref<640x128xf32, #tpu.memory_space<hbm>>
      %dma_wait3A_15 = arith.constant 0 : i32
      %dma_wait3A_16 = tpu.memref_slice %arg7[%mul3A_2, %dma_wait3A_15] : memref<10240x128xf32, #tpu.memory_space<vmem_shared>> -> memref<640x128xf32, #tpu.memory_space<vmem_shared>>
      tpu.wait_dma2 semaphore(%run_scoped3A : memref<!tpu.dma_semaphore, #tpu.memory_space<semaphore_mem>>) src(%dma_wait3A_16 : memref<640x128xf32, #tpu.memory_space<vmem_shared>>) dst(%dma_wait3A_14 : memref<640x128xf32, #tpu.memory_space<hbm>>)
      tpu.yield
    }) : () -> ()
    return
  }
}

module attributes {stable_mosaic.version = 14 : i64} {
  func.func @_dense1_body(%arg0: i32, %arg1: memref<1x1000x128xf32, #tpu.memory_space<vmem>>, %arg2: memref<1x1000x128xf32, #tpu.memory_space<vmem>>, %arg3: memref<1x1000x128xf32, #tpu.memory_space<vmem>>, %arg4: memref<1x1000x128xf32, #tpu.memory_space<vmem>>, %arg5: memref<1000x128xf32, #tpu.memory_space<vmem>>, %arg6: memref<128x128xf32, #tpu.memory_space<vmem>>, %arg7: memref<128x128xf32, #tpu.memory_space<vmem>>, %arg8: memref<1x128xf32, #tpu.memory_space<vmem>>, %arg9: memref<1000x128xf32, #tpu.memory_space<vmem>>) attributes {dimension_semantics = [#tpu.dimension_semantics<arbitrary>], iteration_bounds = array<i64: 10>, scalar_prefetch = 0 : i64, scratch_operands = 0 : i64, tpu.core_type = #tpu.core_type<tc>, window_params = [{transform_indices = @transform_0, window_bounds = array<i64: 1, 1000, 128>}, {transform_indices = @transform_1, window_bounds = array<i64: 1, 1000, 128>}, {transform_indices = @transform_2, window_bounds = array<i64: 1, 1000, 128>}, {transform_indices = @transform_3, window_bounds = array<i64: 1, 1000, 128>}, {transform_indices = @transform_4, window_bounds = array<i64: 1000, 128>}, {pipeline_mode = #tpu.pipeline_mode<synchronous>, transform_indices = @transform_5, window_bounds = array<i64: 128, 128>}, {pipeline_mode = #tpu.pipeline_mode<synchronous>, transform_indices = @transform_6, window_bounds = array<i64: 128, 128>}, {pipeline_mode = #tpu.pipeline_mode<synchronous>, transform_indices = @transform_7, window_bounds = array<i64: 1, 128>}, {transform_indices = @transform_8, window_bounds = array<i64: 1000, 128>}]} {
    %get3A = arith.constant 0 : index
    %get3A_0 = arith.constant 0 : index
    %get3A_1 = arith.constant 0 : index
    %get3A_2 = vector.load %arg3[%get3A, %get3A_0, %get3A_1] : memref<1x1000x128xf32, #tpu.memory_space<vmem>>, vector<1x1000x128xf32>
    %get3A_3 = vector.shape_cast %get3A_2 : vector<1x1000x128xf32> to vector<1000x128xf32>
    %get3A_4 = arith.constant 0 : index
    %get3A_5 = arith.constant 0 : index
    %get3A_6 = arith.constant 0 : index
    %get3A_7 = vector.load %arg4[%get3A_4, %get3A_5, %get3A_6] : memref<1x1000x128xf32, #tpu.memory_space<vmem>>, vector<1x1000x128xf32>
    %get3A_8 = vector.shape_cast %get3A_7 : vector<1x1000x128xf32> to vector<1000x128xf32>
    %add3A = arith.addf %get3A_3, %get3A_8 : vector<1000x128xf32>
    %reduce_sum3A = arith.constant dense<0.000000e+00> : vector<1000xf32>
    %reduce_sum3A_9 = vector.multi_reduction <add>, %add3A, %reduce_sum3A [1] : vector<1000x128xf32> to vector<1000xf32>
    %broadcast_in_dim3A = vector.shape_cast %reduce_sum3A_9 : vector<1000xf32> to vector<1000x1xf32>
    %mul3A = arith.constant 7.812500e-03 : f32
    %mul3A_10 = vector.broadcast %mul3A : f32 to vector<1000x1xf32>
    %mul3A_11 = arith.mulf %broadcast_in_dim3A, %mul3A_10 : vector<1000x1xf32>
    %max3A = arith.constant 1.000000e+00 : f32
    %max3A_12 = vector.broadcast %max3A : f32 to vector<1000x1xf32>
    %max3A_13 = arith.maximumf %mul3A_11, %max3A_12 : vector<1000x1xf32>
    %div3A = arith.constant 1.000000e+00 : f32
    %div3A_14 = vector.broadcast %div3A : f32 to vector<1000x1xf32>
    %div3A_15 = arith.divf %div3A_14, %max3A_13 : vector<1000x1xf32>
    %get3A_16 = arith.constant 0 : index
    %get3A_17 = arith.constant 0 : index
    %get3A_18 = arith.constant 0 : index
    %get3A_19 = vector.load %arg1[%get3A_16, %get3A_17, %get3A_18] : memref<1x1000x128xf32, #tpu.memory_space<vmem>>, vector<1x1000x128xf32>
    %get3A_20 = vector.shape_cast %get3A_19 : vector<1x1000x128xf32> to vector<1000x128xf32>
    %get3A_21 = arith.constant 0 : index
    %get3A_22 = arith.constant 0 : index
    %get3A_23 = arith.constant 0 : index
    %get3A_24 = vector.load %arg2[%get3A_21, %get3A_22, %get3A_23] : memref<1x1000x128xf32, #tpu.memory_space<vmem>>, vector<1x1000x128xf32>
    %get3A_25 = vector.shape_cast %get3A_24 : vector<1x1000x128xf32> to vector<1000x128xf32>
    %add3A_26 = arith.addf %get3A_20, %get3A_25 : vector<1000x128xf32>
    %mul3A_27 = vector.broadcast %div3A_15 : vector<1000x1xf32> to vector<1000x128xf32>
    %mul3A_28 = arith.mulf %add3A_26, %mul3A_27 : vector<1000x128xf32>
    %get3A_29 = arith.constant 0 : index
    %get3A_30 = arith.constant 0 : index
    %get3A_31 = vector.load %arg6[%get3A_29, %get3A_30] : memref<128x128xf32, #tpu.memory_space<vmem>>, vector<128x128xf32>
    %dot_general3A = arith.constant dense<0.000000e+00> : vector<1000x128xf32>
    %dot_general3A_32 = tpu.matmul %mul3A_28, %get3A_31, %dot_general3A {dimension_numbers = #tpu.dot_dimension_numbers<[1], [1], [0], [0], [0, 0, 1, 0], [], []>, transpose_lhs_hint = false} : vector<1000x128xf32>, vector<128x128xf32>, vector<1000x128xf32> -> vector<1000x128xf32>
    %get3A_33 = arith.constant 0 : index
    %get3A_34 = arith.constant 0 : index
    %get3A_35 = vector.load %arg8[%get3A_33, %get3A_34] : memref<1x128xf32, #tpu.memory_space<vmem>>, vector<1x128xf32>
    %add3A_36 = vector.broadcast %get3A_35 : vector<1x128xf32> to vector<1000x128xf32>
    %add3A_37 = arith.addf %dot_general3A_32, %add3A_36 : vector<1000x128xf32>
    %get3A_38 = arith.constant 0 : index
    %get3A_39 = arith.constant 0 : index
    %get3A_40 = vector.load %arg5[%get3A_38, %get3A_39] : memref<1000x128xf32, #tpu.memory_space<vmem>>, vector<1000x128xf32>
    %get3A_41 = arith.constant 0 : index
    %get3A_42 = arith.constant 0 : index
    %get3A_43 = vector.load %arg7[%get3A_41, %get3A_42] : memref<128x128xf32, #tpu.memory_space<vmem>>, vector<128x128xf32>
    %dot_general3A_44 = arith.constant dense<0.000000e+00> : vector<1000x128xf32>
    %dot_general3A_45 = tpu.matmul %get3A_40, %get3A_43, %dot_general3A_44 {dimension_numbers = #tpu.dot_dimension_numbers<[1], [1], [0], [0], [0, 0, 1, 0], [], []>, transpose_lhs_hint = false} : vector<1000x128xf32>, vector<128x128xf32>, vector<1000x128xf32> -> vector<1000x128xf32>
    %add3A_46 = arith.addf %add3A_37, %dot_general3A_45 : vector<1000x128xf32>
    %max3A_47 = arith.constant 0.000000e+00 : f32
    %max3A_48 = vector.broadcast %max3A_47 : f32 to vector<1000x128xf32>
    %max3A_49 = arith.maximumf %add3A_46, %max3A_48 : vector<1000x128xf32>
    %swap3A = arith.constant 0 : index
    %swap3A_50 = arith.constant 0 : index
    %swap3A_51 = vector.load %arg9[%swap3A, %swap3A_50] : memref<1000x128xf32, #tpu.memory_space<vmem>>, vector<1000x128xf32>
    tpu.vector_store %arg9[%swap3A, %swap3A_50], %max3A_49 {strides = array<i32>} : memref<1000x128xf32, #tpu.memory_space<vmem>>, vector<1000x128xf32>,
    return
  }
  func.func @transform_0(%arg0: i32) -> (i32, i32, i32) {
    %c0_i32 = arith.constant 0 : i32
    %c0_i32_0 = arith.constant 0 : i32
    %c0_i32_1 = arith.constant 0 : i32
    return %c0_i32, %arg0, %c0_i32_0 : i32, i32, i32
  }
  func.func @transform_1(%arg0: i32) -> (i32, i32, i32) {
    %c1_i32 = arith.constant 1 : i32
    %c0_i32 = arith.constant 0 : i32
    %c0_i32_0 = arith.constant 0 : i32
    return %c1_i32, %arg0, %c0_i32 : i32, i32, i32
  }
  func.func @transform_2(%arg0: i32) -> (i32, i32, i32) {
    %c0_i32 = arith.constant 0 : i32
    %c0_i32_0 = arith.constant 0 : i32
    %c0_i32_1 = arith.constant 0 : i32
    return %c0_i32, %arg0, %c0_i32_0 : i32, i32, i32
  }
  func.func @transform_3(%arg0: i32) -> (i32, i32, i32) {
    %c1_i32 = arith.constant 1 : i32
    %c0_i32 = arith.constant 0 : i32
    %c0_i32_0 = arith.constant 0 : i32
    return %c1_i32, %arg0, %c0_i32 : i32, i32, i32
  }
  func.func @transform_4(%arg0: i32) -> (i32, i32) {
    %c0_i32 = arith.constant 0 : i32
    %c0_i32_0 = arith.constant 0 : i32
    return %arg0, %c0_i32 : i32, i32
  }
  func.func @transform_5(%arg0: i32) -> (i32, i32) {
    %c0_i32 = arith.constant 0 : i32
    %c0_i32_0 = arith.constant 0 : i32
    %c0_i32_1 = arith.constant 0 : i32
    return %c0_i32, %c0_i32_0 : i32, i32
  }
  func.func @transform_6(%arg0: i32) -> (i32, i32) {
    %c0_i32 = arith.constant 0 : i32
    %c0_i32_0 = arith.constant 0 : i32
    %c0_i32_1 = arith.constant 0 : i32
    return %c0_i32, %c0_i32_0 : i32, i32
  }
  func.func @transform_7(%arg0: i32) -> (i32, i32) {
    %c0_i32 = arith.constant 0 : i32
    %c0_i32_0 = arith.constant 0 : i32
    %c0_i32_1 = arith.constant 0 : i32
    return %c0_i32, %c0_i32_0 : i32, i32
  }
  func.func @transform_8(%arg0: i32) -> (i32, i32) {
    %c0_i32 = arith.constant 0 : i32
    %c0_i32_0 = arith.constant 0 : i32
    return %arg0, %c0_i32 : i32, i32
  }
}

module attributes {stable_mosaic.version = 14 : i64} {
  func.func @_dense2_body(%arg0: i32, %arg1: memref<1x1000x128xf32, #tpu.memory_space<vmem>>, %arg2: memref<1x1000x128xf32, #tpu.memory_space<vmem>>, %arg3: memref<1x1000x128xf32, #tpu.memory_space<vmem>>, %arg4: memref<1x1000x128xf32, #tpu.memory_space<vmem>>, %arg5: memref<1000x128xf32, #tpu.memory_space<vmem>>, %arg6: memref<128x128xf32, #tpu.memory_space<vmem>>, %arg7: memref<128x128xf32, #tpu.memory_space<vmem>>, %arg8: memref<1x128xf32, #tpu.memory_space<vmem>>, %arg9: memref<128x128xf32, #tpu.memory_space<vmem>>, %arg10: memref<1x128xf32, #tpu.memory_space<vmem>>, %arg11: memref<1000x128xf32, #tpu.memory_space<vmem>>) attributes {dimension_semantics = [#tpu.dimension_semantics<arbitrary>], iteration_bounds = array<i64: 10>, scalar_prefetch = 0 : i64, scratch_operands = 0 : i64, tpu.core_type = #tpu.core_type<tc>, window_params = [{transform_indices = @transform_0, window_bounds = array<i64: 1, 1000, 128>}, {transform_indices = @transform_1, window_bounds = array<i64: 1, 1000, 128>}, {transform_indices = @transform_2, window_bounds = array<i64: 1, 1000, 128>}, {transform_indices = @transform_3, window_bounds = array<i64: 1, 1000, 128>}, {transform_indices = @transform_4, window_bounds = array<i64: 1000, 128>}, {pipeline_mode = #tpu.pipeline_mode<synchronous>, transform_indices = @transform_5, window_bounds = array<i64: 128, 128>}, {pipeline_mode = #tpu.pipeline_mode<synchronous>, transform_indices = @transform_6, window_bounds = array<i64: 128, 128>}, {pipeline_mode = #tpu.pipeline_mode<synchronous>, transform_indices = @transform_7, window_bounds = array<i64: 1, 128>}, {pipeline_mode = #tpu.pipeline_mode<synchronous>, transform_indices = @transform_8, window_bounds = array<i64: 128, 128>}, {pipeline_mode = #tpu.pipeline_mode<synchronous>, transform_indices = @transform_9, window_bounds = array<i64: 1, 128>}, {transform_indices = @transform_10, window_bounds = array<i64: 1000, 128>}]} {
    %get3A = arith.constant 0 : index
    %get3A_0 = arith.constant 0 : index
    %get3A_1 = arith.constant 0 : index
    %get3A_2 = vector.load %arg3[%get3A, %get3A_0, %get3A_1] : memref<1x1000x128xf32, #tpu.memory_space<vmem>>, vector<1x1000x128xf32>
    %get3A_3 = vector.shape_cast %get3A_2 : vector<1x1000x128xf32> to vector<1000x128xf32>
    %get3A_4 = arith.constant 0 : index
    %get3A_5 = arith.constant 0 : index
    %get3A_6 = arith.constant 0 : index
    %get3A_7 = vector.load %arg4[%get3A_4, %get3A_5, %get3A_6] : memref<1x1000x128xf32, #tpu.memory_space<vmem>>, vector<1x1000x128xf32>
    %get3A_8 = vector.shape_cast %get3A_7 : vector<1x1000x128xf32> to vector<1000x128xf32>
    %add3A = arith.addf %get3A_3, %get3A_8 : vector<1000x128xf32>
    %reduce_sum3A = arith.constant dense<0.000000e+00> : vector<1000xf32>
    %reduce_sum3A_9 = vector.multi_reduction <add>, %add3A, %reduce_sum3A [1] : vector<1000x128xf32> to vector<1000xf32>
    %broadcast_in_dim3A = vector.shape_cast %reduce_sum3A_9 : vector<1000xf32> to vector<1000x1xf32>
    %mul3A = arith.constant 7.812500e-03 : f32
    %mul3A_10 = vector.broadcast %mul3A : f32 to vector<1000x1xf32>
    %mul3A_11 = arith.mulf %broadcast_in_dim3A, %mul3A_10 : vector<1000x1xf32>
    %max3A = arith.constant 1.000000e+00 : f32
    %max3A_12 = vector.broadcast %max3A : f32 to vector<1000x1xf32>
    %max3A_13 = arith.maximumf %mul3A_11, %max3A_12 : vector<1000x1xf32>
    %div3A = arith.constant 1.000000e+00 : f32
    %div3A_14 = vector.broadcast %div3A : f32 to vector<1000x1xf32>
    %div3A_15 = arith.divf %div3A_14, %max3A_13 : vector<1000x1xf32>
    %get3A_16 = arith.constant 0 : index
    %get3A_17 = arith.constant 0 : index
    %get3A_18 = arith.constant 0 : index
    %get3A_19 = vector.load %arg1[%get3A_16, %get3A_17, %get3A_18] : memref<1x1000x128xf32, #tpu.memory_space<vmem>>, vector<1x1000x128xf32>
    %get3A_20 = vector.shape_cast %get3A_19 : vector<1x1000x128xf32> to vector<1000x128xf32>
    %get3A_21 = arith.constant 0 : index
    %get3A_22 = arith.constant 0 : index
    %get3A_23 = arith.constant 0 : index
    %get3A_24 = vector.load %arg2[%get3A_21, %get3A_22, %get3A_23] : memref<1x1000x128xf32, #tpu.memory_space<vmem>>, vector<1x1000x128xf32>
    %get3A_25 = vector.shape_cast %get3A_24 : vector<1x1000x128xf32> to vector<1000x128xf32>
    %add3A_26 = arith.addf %get3A_20, %get3A_25 : vector<1000x128xf32>
    %mul3A_27 = vector.broadcast %div3A_15 : vector<1000x1xf32> to vector<1000x128xf32>
    %mul3A_28 = arith.mulf %add3A_26, %mul3A_27 : vector<1000x128xf32>
    %get3A_29 = arith.constant 0 : index
    %get3A_30 = arith.constant 0 : index
    %get3A_31 = vector.load %arg6[%get3A_29, %get3A_30] : memref<128x128xf32, #tpu.memory_space<vmem>>, vector<128x128xf32>
    %dot_general3A = arith.constant dense<0.000000e+00> : vector<1000x128xf32>
    %dot_general3A_32 = tpu.matmul %mul3A_28, %get3A_31, %dot_general3A {dimension_numbers = #tpu.dot_dimension_numbers<[1], [1], [0], [0], [0, 0, 1, 0], [], []>, transpose_lhs_hint = false} : vector<1000x128xf32>, vector<128x128xf32>, vector<1000x128xf32> -> vector<1000x128xf32>
    %get3A_33 = arith.constant 0 : index
    %get3A_34 = arith.constant 0 : index
    %get3A_35 = vector.load %arg8[%get3A_33, %get3A_34] : memref<1x128xf32, #tpu.memory_space<vmem>>, vector<1x128xf32>
    %add3A_36 = vector.broadcast %get3A_35 : vector<1x128xf32> to vector<1000x128xf32>
    %add3A_37 = arith.addf %dot_general3A_32, %add3A_36 : vector<1000x128xf32>
    %get3A_38 = arith.constant 0 : index
    %get3A_39 = arith.constant 0 : index
    %get3A_40 = vector.load %arg5[%get3A_38, %get3A_39] : memref<1000x128xf32, #tpu.memory_space<vmem>>, vector<1000x128xf32>
    %get3A_41 = arith.constant 0 : index
    %get3A_42 = arith.constant 0 : index
    %get3A_43 = vector.load %arg7[%get3A_41, %get3A_42] : memref<128x128xf32, #tpu.memory_space<vmem>>, vector<128x128xf32>
    %dot_general3A_44 = arith.constant dense<0.000000e+00> : vector<1000x128xf32>
    %dot_general3A_45 = tpu.matmul %get3A_40, %get3A_43, %dot_general3A_44 {dimension_numbers = #tpu.dot_dimension_numbers<[1], [1], [0], [0], [0, 0, 1, 0], [], []>, transpose_lhs_hint = false} : vector<1000x128xf32>, vector<128x128xf32>, vector<1000x128xf32> -> vector<1000x128xf32>
    %add3A_46 = arith.addf %add3A_37, %dot_general3A_45 : vector<1000x128xf32>
    %max3A_47 = arith.constant 0.000000e+00 : f32
    %max3A_48 = vector.broadcast %max3A_47 : f32 to vector<1000x128xf32>
    %max3A_49 = arith.maximumf %add3A_46, %max3A_48 : vector<1000x128xf32>
    %get3A_50 = arith.constant 0 : index
    %get3A_51 = arith.constant 0 : index
    %get3A_52 = vector.load %arg9[%get3A_50, %get3A_51] : memref<128x128xf32, #tpu.memory_space<vmem>>, vector<128x128xf32>
    %dot_general3A_53 = arith.constant dense<0.000000e+00> : vector<1000x128xf32>
    %dot_general3A_54 = tpu.matmul %max3A_49, %get3A_52, %dot_general3A_53 {dimension_numbers = #tpu.dot_dimension_numbers<[1], [1], [0], [0], [0, 0, 1, 0], [], []>, transpose_lhs_hint = false} : vector<1000x128xf32>, vector<128x128xf32>, vector<1000x128xf32> -> vector<1000x128xf32>
    %get3A_55 = arith.constant 0 : index
    %get3A_56 = arith.constant 0 : index
    %get3A_57 = vector.load %arg10[%get3A_55, %get3A_56] : memref<1x128xf32, #tpu.memory_space<vmem>>, vector<1x128xf32>
    %add3A_58 = vector.broadcast %get3A_57 : vector<1x128xf32> to vector<1000x128xf32>
    %add3A_59 = arith.addf %dot_general3A_54, %add3A_58 : vector<1000x128xf32>
    %swap3A = arith.constant 0 : index
    %swap3A_60 = arith.constant 0 : index
    %swap3A_61 = vector.load %arg11[%swap3A, %swap3A_60] : memref<1000x128xf32, #tpu.memory_space<vmem>>, vector<1000x128xf32>
    tpu.vector_store %arg11[%swap3A, %swap3A_60], %add3A_59 {strides = array<i32>} : memref<1000x128xf32, #tpu.memory_space<vmem>>, vector<1000x128xf32>,
    return
  }
  func.func @transform_0(%arg0: i32) -> (i32, i32, i32) {
    %c0_i32 = arith.constant 0 : i32
    %c0_i32_0 = arith.constant 0 : i32
    %c0_i32_1 = arith.constant 0 : i32
    return %c0_i32, %arg0, %c0_i32_0 : i32, i32, i32
  }
  func.func @transform_1(%arg0: i32) -> (i32, i32, i32) {
    %c1_i32 = arith.constant 1 : i32
    %c0_i32 = arith.constant 0 : i32
    %c0_i32_0 = arith.constant 0 : i32
    return %c1_i32, %arg0, %c0_i32 : i32, i32, i32
  }
  func.func @transform_2(%arg0: i32) -> (i32, i32, i32) {
    %c0_i32 = arith.constant 0 : i32
    %c0_i32_0 = arith.constant 0 : i32
    %c0_i32_1 = arith.constant 0 : i32
    return %c0_i32, %arg0, %c0_i32_0 : i32, i32, i32
  }
  func.func @transform_3(%arg0: i32) -> (i32, i32, i32) {
    %c1_i32 = arith.constant 1 : i32
    %c0_i32 = arith.constant 0 : i32
    %c0_i32_0 = arith.constant 0 : i32
    return %c1_i32, %arg0, %c0_i32 : i32, i32, i32
  }
  func.func @transform_4(%arg0: i32) -> (i32, i32) {
    %c0_i32 = arith.constant 0 : i32
    %c0_i32_0 = arith.constant 0 : i32
    return %arg0, %c0_i32 : i32, i32
  }
  func.func @transform_5(%arg0: i32) -> (i32, i32) {
    %c0_i32 = arith.constant 0 : i32
    %c0_i32_0 = arith.constant 0 : i32
    %c0_i32_1 = arith.constant 0 : i32
    return %c0_i32, %c0_i32_0 : i32, i32
  }
  func.func @transform_6(%arg0: i32) -> (i32, i32) {
    %c0_i32 = arith.constant 0 : i32
    %c0_i32_0 = arith.constant 0 : i32
    %c0_i32_1 = arith.constant 0 : i32
    return %c0_i32, %c0_i32_0 : i32, i32
  }
  func.func @transform_7(%arg0: i32) -> (i32, i32) {
    %c0_i32 = arith.constant 0 : i32
    %c0_i32_0 = arith.constant 0 : i32
    %c0_i32_1 = arith.constant 0 : i32
    return %c0_i32, %c0_i32_0 : i32, i32
  }
  func.func @transform_8(%arg0: i32) -> (i32, i32) {
    %c0_i32 = arith.constant 0 : i32
    %c0_i32_0 = arith.constant 0 : i32
    %c0_i32_1 = arith.constant 0 : i32
    return %c0_i32, %c0_i32_0 : i32, i32
  }
  func.func @transform_9(%arg0: i32) -> (i32, i32) {
    %c0_i32 = arith.constant 0 : i32
    %c0_i32_0 = arith.constant 0 : i32
    %c0_i32_1 = arith.constant 0 : i32
    return %c0_i32, %c0_i32_0 : i32, i32
  }
  func.func @transform_10(%arg0: i32) -> (i32, i32) {
    %c0_i32 = arith.constant 0 : i32
    %c0_i32_0 = arith.constant 0 : i32
    return %arg0, %c0_i32 : i32, i32
  }
}

</mosaic_0001>

<sc_bundles>
// kernel: kernel.10.cloned.1.call-start
scs
__scs_entry_jumppad:
0x0: {  	(pc) =	sbr.rel $0x88, $3  }
0x1: {  	(tag) =	ssettag $0x0;
	lr =	simm.s32 $0x1  }
0x2: {  	[smem:$0x3F97] =	sst lr;
	_ =	strace $0xD0000000  }
0x3: {  	_ = 	snop  }
0x4: {  	_ = 	snop  }
0x5: {  	_ = 	snop  }
0x6: {  	_ = 	snop  }
0x7: {  	_ = 	snop  }
__scs_overlays_trampoline_lowered:
0x8: {  	[smem:$0x3FA6] =	sst s0  }
0x9: {  	[smem:$0x3FA7] =	sst s1  }
0xa: {  	[smem:$0x3FA8] =	sst s2  }
0xb: {  	[smem:$0x3FA9] =	sst s3  }
0xc: {  	[smem:$0x3FAA] =	sst s4  }
0xd: {  	[smem:$0x3FAB] =	sst s5  }
0xe: {  	[smem:$0x3FAC] =	sst s6  }
0xf: {  	[smem:$0x3FAD] =	sst s7  }
0x10: {  	[smem:$0x3FAE] =	sst s8  }
0x11: {  	[smem:$0x3FAF] =	sst s9;
	s0 =	simm.s32 @!p0 $0x0  }
0x12: {  	s1 =	sld [smem:$0x3F95];
	s0 =	simm.s32 @p0 $0x1  }
0x13: {  	[smem:$0x3FB0] =	sst s0;
	s0 =	simm.s32 @!p1 $0x0  }
0x14: {  	s2 =	sld [smem:$0x3F94];
	s0 =	simm.s32 @p1 $0x1  }
0x15: {  	[smem:$0x3FB1] =	sst s0;
	s0 =	simm.s32 @!p2 $0x0  }
0x16: {  	s3 =	sld [smem:$0x3FDB];
	s0 =	simm.s32 @p2 $0x1  }
0x17: {  	s4 =	simm.s32 $0x1BF5;
	[smem:$0x3FB3] =	sst s0  }
0x18: {  	s0 =	sld [smem:$0x3F96];
	_ =	swait.ge [sflag:s4], $0x0  }
0x19: {  	s7 =	sld [smem:$0x3F97]  }
0x1a: {  	s8 =	sadd.s32 $0xFFFFE003, lr  }
0x1b: {  	s9 =	sadd.s32 $0xFFFFFEF7, lr;
	s5 =	simm.s32 $0xFFFFFFFF;
	p2 =	slt.u32 s8, $0xFFFFF086  }
0x1c: {  	p1 =	slt.u32 s9, $0xF7A;
	s5 =	simm.s32 @!p2 $0x0  }
0x1d: {  	s5 =	simm.s32 @p1 $0x1;
	p0 =	seq.s32 s7, s2  }
0x1e: {  	s7 =	smul.u32 @!p0 $0xF7A, s2;
	p2 =	seq.s32 @!p0 s5, $0x0  }
0x1f: {  	s9 =	smul.u32 $0xF7A, s1;
	s8 =	simm.s32 @!p0 $0x1BF5;
	p2 =	por !p2, p0  }
0x20: {  	[sflag:s8] =	ssyncset.s32 @!p0 $0xFFFFF086;
	s6 =	sadd.s32 @!p0 s3, s7;
	s7 =	simm.s32 @!p0 $0x108  }
0x21: {  	s3 =	sadd.s32 s3, s9;
	s6 =	sadd.s32 @!p0 $0x88, s6;
	s7 =	simm.s32 @p2 $0x1082  }
0x22: {  	[simem:s7], [sflag:s8] =	dma.local @!p0 [hbm:s6], $0xF7A  }
0x23: {  	s9 =	sor.u32 $0xD0000000, s2;
	s6 =	simm.s32 $0x108;
	_ =	swait.ge @!p0 [sflag:s8], $0x0  }
0x24: {  	s3 =	sadd.s32 $0x88, s3;
	s6 =	simm.s32 @!p1 $0x1082;
	[sflag:s4] =	ssyncset.s32 $0xFFFFF086  }
0x25: {  	[simem:s6], [sflag:s4] =	dma.local [hbm:s3], $0xF7A  }
0x26: {  	[smem:$0x3F97] =	sst s1;
	(tag) =	ssettag s2;
	_ =	strace s9  }
0x27: {  	s1 =	sld [smem:$0x3FA7]  }
0x28: {  	s2 =	sld [smem:$0x3FA8]  }
0x29: {  	s4 =	sld [smem:$0x3FAA]  }
0x2a: {  	p0 =	seq.s32 s5, $0x0;
	s5 =	sld [smem:$0x3FAB]  }
0x2b: {  	s6 =	sld [smem:$0x3FAC]  }
0x2c: {  	s7 =	sld [smem:$0x3FAD]  }
0x2d: {  	s3 =	simm.s32 $0x108;
	s8 =	sld [smem:$0x3FAE]  }
0x2e: {  	s3 =	simm.s32 @!p0 $0x1082;
	s9 =	sld [smem:$0x3FAF]  }
0x2f: {  	lr =	sadd.s32 s0, s3;
	s0 =	sld [smem:$0x3FA6]  }
0x30: {  	s3 =	sld [smem:$0x3FA9]  }
0x31: {  	[smem:$0x3FB2] =	sst s10  }
0x32: {  	s10 =	sld [smem:$0x3FB0];
	_ =	sdelay $0x3  }
0x33: {  	p0 =	seq.s32 s10, $0x1;
	s10 =	sld [smem:$0x3FB2];
	_ =	sdelay $0x3  }
0x34: {  	[smem:$0x3FB2] =	sst s10  }
0x35: {  	s10 =	sld [smem:$0x3FB1];
	_ =	sdelay $0x3  }
0x36: {  	p1 =	seq.s32 s10, $0x1;
	s10 =	sld [smem:$0x3FB2];
	_ =	sdelay $0x3  }
0x37: {  	[smem:$0x3FB2] =	sst s10  }
0x38: {  	s10 =	sld [smem:$0x3FB3]  }
0x39: {  	_ = 	snop;
	(pc) =	sbr.ind lr, $3  }
0x3a: {  	_ = 	snop  }
0x3b: {  	_ = 	snop  }
0x3c: {  	p2 =	seq.s32 s10, $0x1;
	s10 =	sld [smem:$0x3FB2]  }
0x3d: {  	_ =	shalt  }
0x3e: {  	_ =	shalt  }
0x3f: {  	_ =	shalt  }
0x40: {  	_ =	shalt  }
0x41: {  	_ =	shalt  }
0x42: {  	_ =	shalt  }
0x43: {  	_ =	shalt  }
0x44: {  	_ =	shalt  }
0x45: {  	_ =	shalt  }
0x46: {  	_ =	shalt  }
0x47: {  	_ =	shalt  }
0x48: {  	_ =	shalt  }
0x49: {  	_ =	shalt  }
0x4a: {  	_ =	shalt  }
0x4b: {  	_ =	shalt  }
0x4c: {  	_ =	shalt  }
0x4d: {  	_ =	shalt  }
0x4e: {  	_ =	shalt  }
0x4f: {  	_ =	shalt  }
0x50: {  	_ =	shalt  }
0x51: {  	_ =	shalt  }
0x52: {  	_ =	shalt  }
0x53: {  	_ =	shalt  }
0x54: {  	_ =	shalt  }
0x55: {  	_ =	shalt  }
0x56: {  	_ =	shalt  }
0x57: {  	_ =	shalt  }
0x58: {  	_ =	shalt  }
0x59: {  	_ =	shalt  }
0x5a: {  	_ =	shalt  }
0x5b: {  	_ =	shalt  }
0x5c: {  	_ =	shalt  }
0x5d: {  	_ =	shalt  }
0x5e: {  	_ =	shalt  }
0x5f: {  	_ =	shalt  }
0x60: {  	_ =	shalt  }
0x61: {  	_ =	shalt  }
0x62: {  	_ =	shalt  }
0x63: {  	_ =	shalt  }
0x64: {  	_ =	shalt  }
0x65: {  	_ =	shalt  }
0x66: {  	_ =	shalt  }
0x67: {  	_ =	shalt  }
0x68: {  	_ =	shalt  }
0x69: {  	_ =	shalt  }
0x6a: {  	_ =	shalt  }
0x6b: {  	_ =	shalt  }
0x6c: {  	_ =	shalt  }
0x6d: {  	_ =	shalt  }
0x6e: {  	_ =	shalt  }
0x6f: {  	_ =	shalt  }
0x70: {  	_ =	shalt  }
0x71: {  	_ =	shalt  }
0x72: {  	_ =	shalt  }
0x73: {  	_ =	shalt  }
0x74: {  	_ =	shalt  }
0x75: {  	_ =	shalt  }
0x76: {  	_ =	shalt  }
0x77: {  	_ =	shalt  }
0x78: {  	_ =	shalt  }
0x79: {  	_ =	shalt  }
0x7a: {  	_ =	shalt  }
0x7b: {  	_ =	shalt  }
0x7c: {  	_ =	shalt  }
0x7d: {  	_ =	shalt  }
0x7e: {  	_ =	shalt  }
0x7f: {  	_ =	shalt  }
0x80: {  	_ =	shalt  }
0x81: {  	_ =	shalt  }
0x82: {  	_ =	shalt  }
0x83: {  	_ =	shalt  }
0x84: {  	_ =	shalt  }
0x85: {  	_ =	shalt  }
0x86: {  	_ =	shalt  }
0x87: {  	_ =	shalt  }
.Lfunc_end0:
.L_simem_size_0:
called_computation.1_lowered:
.L_overlay_start_0:
0x88: {  	s2 =	sld [smem:$0x3FD9]  }
0x89: {  	s3 =	sld [smem:$0x3FFE];
	_ =	sdelay $0x1  }
0x8a: {  	s1 =	srdreg.scid  }
0x8b: {  	s0 =	sand.u32 $0x1, s1  }
0x8c: {  	s17 =	sshll.u32 s0, $0xA;
	s2 =	sadd.s32 s3, s2  }
0x8d: {  	s2 =	sadd.s32 s2, s17  }
0x8e: {  	[smem:$0x3FBE] =	sst s2  }
0x8f: {  	_ = 	snop  }
0x90: {  	s18 =	sld [smem:$0x3FC9];
	(tm) =	ssettm $0x1  }
0x91: {  	s19 =	sld [smem:$0x3FFB];
	_ =	sdelay $0x3  }
0x92: {  	_ =	strace s19  }
0x93: {  	s2 =	sld [smem:$0x3FFC];
	_ =	sdelay $0x3  }
0x94: {  	_ =	strace s2  }
0x95: {  	s2 =	sld [smem:$0x3FFD];
	_ =	sdelay $0x3  }
0x96: {  	_ =	strace s2  }
0x97: {  	_ =	strace $0x8FFFFFFF  }
0x98: {  	s20 =	sld [smem:$0x3FDB];
	_ =	sdelay $0x1  }
0x99: {  	s4 =	simm.s32 $_scs_section_size  }
0x9a: {  	s5 =	simm.s32 $_size__tile_overlayer_lowered;
	s6 =	simm.s32 $_tile_overlayer_lowered  }
0x9b: {  	s7 =	simm.s32 $0x1BFF;
	s21 =	sshll.u32 s6, $0x1;
	s4 =	sadd.s32 s4, s20  }
0x9c: {  	s22 =	simm.s32 $0x0;
	s5 =	sshll.u32 s5, $0x1;
	s6 =	sadd.s32 s21, s4  }
0x9d: {  	[timem:s22], [sflag:s7] =	dma.local [hbm:s6], s5  }
0x9e: {  	_ =	swait.ge [sflag:s7], s5  }
0x9f: {  	s5 =	ssub.s32 $0x0, s5;
	[sflag:s7] =	ssyncset.done $0x0  }
0xa0: {  	[sflag:s7] =	ssyncadd.s32 s5;
	_ =	sdelay $0x1  }
0xa1: {  	s23 =	simm.s32 $0x1B8B  }
0xa2: {  	_ =	swait.ge [sflag:s23], $0x1  }
0xa3: {  	[sflag:s23] =	ssyncset.done $0x0  }
0xa4: {  	[sflag:s23] =	ssyncadd.s32 $0xFFFFFFFF  }
0xa5: {  	s5 =	sld [smem:$0x0]  }
0xa6: {  	s6 =	sand.u32 $0xFFFFFFFE, s1  }
0xa7: {  	p0 =	sne.s32 s1, s6  }
0xa8: {  	s6 =	sshll.u32 @p0 s6, $0xE  }
0xa9: {  	s6 =	sadd.s32 @p0 $0x11B8D, s6;
	s7 =	sshll.u32 @p0 s5, $0x11  }
0xaa: {  	s6 =	sor.u32 @p0 s7, s6  }
0xab: {  	[sflag:s6] =	ssyncadd.remote.s32 @p0 $0x1;
	_ =	sdelay $0x1  }
0xac: {  	s6 =	simm.s32 @p0 $0x1B8D  }
0xad: {  	_ =	swait.eq @p0 [sflag:s6], $0x1  }
0xae: {  	[sflag:s6] =	ssyncadd.s32 @p0 $0xFFFFFFFF  }
0xaf: {  	s7 =	sshll.u32 @!p0 s1, $0xE  }
0xb0: {  	s7 =	sor.u32 @!p0 $0x4000, s7;
	s6 =	simm.s32 @!p0 $0x1B8D  }
0xb1: {  	s5 =	sshll.u32 @!p0 s5, $0x11;
	s7 =	sadd.s32 @!p0 $0x11B8D, s7;
	_ =	swait.eq @!p0 [sflag:s6], $0x1  }
0xb2: {  	s5 =	sor.u32 @!p0 s5, s7;
	[sflag:s6] =	ssyncadd.s32 @!p0 $0xFFFFFFFF  }
0xb3: {  	s25 =	simm.s32 $0x1B8E;
	s24 =	sld [smem:$0x3FFE];
	[sflag:s5] =	ssyncadd.remote.s32 @!p0 $0x1  }
0xb4: {  	s26 =	simm.s32 $execute0_lowered;
	[smem:$0x3FD2] =	sst s25  }
0xb5: {  	s6 =	sshll.u32 s26, $0x1;
	_ =	strace $0x80000049;
	[dreg:$0x1] =	wrdreg $0xFFFFFFFF  }
0xb6: {  	s28 =	simm.s32 $_size_execute0_lowered;
	s4 =	sadd.s32 s4, s6;
	[dreg:$0x0] =	wrdreg $0x0  }
0xb7: {  	s6 =	sshll.u32 s28, $0x1;
	[dreg:$0x2] =	wrdreg s4  }
0xb8: {  	[dreg:$0x3] =	wrdreg s6  }
0xb9: {  	[dreg:$0x4] =	wrdreg $0xC0  }
0xba: {  	_ =	task [dreg:s22], $0x5FFFF  }
0xbb: {  	[dreg:$0x1] =	wrdreg $0xFFFFFFFF  }
0xbc: {  	[dreg:$0x0] =	wrdreg $0x60  }
0xbd: {  	[dreg:$0x2] =	wrdreg s18  }
0xbe: {  	[dreg:$0x3] =	wrdreg s24  }
0xbf: {  	[dreg:$0x4] =	wrdreg $0x0  }
0xc0: {  	[dreg:$0x5] =	wrdreg $0xA  }
0xc1: {  	_ =	task.clear_ibuf [dreg:s22], $0x6FFFF;
	_ =	strace $0x90000049  }
0xc2: {  	s29 =	simm.s32 $0xA;
	_ =	strace $0x8000004B  }
0xc3: {  	_ =	swait.ge [sflag:s29], $0x1  }
0xc4: {  	[sflag:s29] =	ssyncadd.s32 $0xFFFFFFFF  }
0xc5: {  	_ =	strace $0x9000004B  }
0xc6: {  	_ =	sfence  }
0xc7: {  	s30 =	sld [smem:$0x0];
	_ =	sdelay $0x2  }
0xc8: {  	s31 =	sshll.u32 s1, $0xD;
	s1 =	sshrl.u32 s1, $0x2  }
0xc9: {  	s4 =	sand.u32 $0x4000, s31;
	s1 =	sadd.s32 s1, s30  }
0xca: {  	s0 =	sor.u32 s4, s0;
	s1 =	sshll.u32 s1, $0x11  }
0xcb: {  	s0 =	sor.u32 s1, s0  }
0xcc: {  	s0 =	sadd.s32 $0x8F2B, s0  }
0xcd: {  	[sflag:s0] =	ssyncadd.remote.s32 $0x1  }
0xce: {  	_ =	sfence.sel $0xFFFF  }
0xcf: {  	[dreg:$0x0] =	wrdreg $0xFFFFFFFF;
	(pc) =	sbr.abs _section_cstart, $3  }
0xd0: {  	[dreg:$0x1] =	wrdreg $0xFFFFFFFF  }
0xd1: {  	_ =	task.clear_ibuf [dreg:s22], $0x2FFFF;
	_ =	strace $0x9FFFFFFF  }
0xd2: {  	(tm) =	ssettm $0x7FFFFFFF  }
0xd3: {  	_ =	shalt  }
tec
execute0_lowered:
.L_overlay_start_1:
0x0: {  	(tag) =	ssettag $0x1  }
0x1: {  	s1 =	rddreg [dreg:$0x0]  }
0x2: {  	s5 =	rddreg [dreg:$0x1]  }
0x3: {  	s3 =	rddreg [dreg:$0x2]  }
0x4: {  	s0 =	rddreg [dreg:$0x3]  }
0x5: {  	s4 =	simm.s32 $0x0;
	s2 =	stileid.u32;
	s6 =	srdreg.scid  }
0x6: {  	s14 =	simm.s32 $0x14080;
	s15 =	simm.s32 $0x80;
	s16 =	simm.s32 $0x14100  }
0x7: {  	s17 =	simm.s32 $0x1;
	s18 =	simm.s32 $0x0;
	[smem:$0x7FF] =	sst s4  }
0x8: {  	s7 =	smul.u32 $0x2800, s2;
	s6 =	sand.u32 $0x1, s6;
	s8 =	sshll.u32 s2, $0x5  }
0x9: {  	s11 =	smul.u32 $0x50000, s2;
	s30 =	sshll.u32 s2, $0x6;
	_ =	strace $0x8000004A  }
0xa: {  	s9 =	smul.u32 $0x28000, s6;
	s8 =	sadd.s32 s8, s5;
	s10 =	ssub.s32 $0x2, s6  }
0xb: {  	s13 =	sshll.u32 s6, $0x4;
	s6 =	sor.u32 $0x1C02, s30;
	s12 =	sadd.s32 s7, s5  }
0xc: {  	s28 =	sshrl.u32 s10, $0x1;
	s29 =	sshrl.u32 s11, $0x2;
	s31 =	sadd.s32 s13, s8  }
0xd: {  	s13 =	simm.s32 $0x14000;
	s7 =	sadd.s32 s7, s9;
	s9 =	ssub.s32 s10, s28  }
0xe: {  	s11 =	sadd.s32 s29, s3;
	s10 =	sadd.s32 $0x2400, s31;
	s7 =	sadd.s32 s7, s5  }
0xf: {  	s5 =	sadd.s32 $0xC200, s12;
	s8 =	smax.u32 s9, $0x1;
	s9 =	sadd.s32 $0x84200, s31  }
0x10: {  	s11 =	sshrl.u32 s11, $0x3;
	s12 =	simm.s32 $0x2;
	s7 =	sadd.s32 $0x8E000, s7  }
.LBB2_1:
0x11: {  	[spmem:s11], [sflag:s6] =	dma.local [hbm:s5], $0x2800  }
0x12: {  	_ =	swait.ge [sflag:s12], $0x2800  }
0x13: {  	[sflag:s12] =	ssyncset.done $0x0  }
0x14: {  	[sflag:s12] =	ssyncadd.s32 $0xFFFFD800  }
0x15: {  	s19 =	sadd.s32 $0x0, s9;
	[bflag:$0x0] =	sbarrier.arrive $0xFFFF  }
0x16: {  	[tilespmem:s13], [sflag:$0x2] =	stream.linear.gather [hbm4b:s19+s4], $0x80, $0x38;
	[tilespmem:$0x18100] =	vst v63  }
0x17: {  	_ =	swait.ge [sflag:s12], $0x80  }
0x18: {  	[sflag:s12] =	ssyncset.done $0x0  }
0x19: {  	s31 =	sadd.s32 $0x0, s10;
	[sflag:s12] =	ssyncadd.s32 $0xFFFFFF80  }
0x1a: {  	[tilespmem:s14], [sflag:$0x2] =	stream.linear.gather [hbm4b:s31+s4], $0x80, $0x38;
	[tilespmem:$0x18100] =	vst v63  }
0x1b: {  	_ =	swait.ge [sflag:s12], $0x80  }
0x1c: {  	[sflag:s12] =	ssyncset.done $0x0  }
0x1d: {  	[sflag:s12] =	ssyncadd.s32 $0xFFFFFF80  }
0x1e: {  	[tilespmem:s16], [sflag:$0x1] =	stream.indirect.gather [hbm4b:s1+s15], $0x80, s13, s15, $0xb8;
	[tilespmem:$0x18100] =	vst v63  }
0x1f: {  	_ =	swait.ge [sflag:s17], $0x4000  }
0x20: {  	[sflag:s17] =	ssyncset.done $0x0  }
0x21: {  	[sflag:s17] =	ssyncadd.s32 $0xFFFFC000  }
0x22: {  	[spmem:s3] =	stream.indirect.scatter.add.f32 [tilespmem:s16], [sflag:$0x2], $0x80, s14, s15, $0xb8;
	[tilespmem:$0x18100] =	vst v63  }
0x23: {  	_ =	swait.ge [sflag:s12], $0x4000  }
0x24: {  	s20 =	simm.s32 $0x400;
	s19 =	simm.s32 $0x200;
	[sflag:s12] =	ssyncset.done $0x0  }
.LBB2_2:
0x25: {  	s21 =	sadd.s32 s19, s9  }
0x26: {  	[sflag:s12] =	ssyncadd.s32 $0xFFFFC000;
	s22 =	smov.u32 s20;
	s23 =	sadd.s32 $0x200, s20  }
0x27: {  	[tilespmem:s13], [sflag:$0x2] =	stream.linear.gather [hbm4b:s21+s4], $0x80, $0x38;
	[tilespmem:$0x18100] =	vst v63  }
0x28: {  	p0 =	sne.s32 s20, $0x9C00;
	_ =	swait.ge [sflag:s12], $0x80  }
0x29: {  	[sflag:s12] =	ssyncset.done $0x0  }
0x2a: {  	s20 =	sadd.s32 s19, s10;
	s19 =	smov.u32 s22;
	[sflag:s12] =	ssyncadd.s32 $0xFFFFFF80  }
0x2b: {  	[tilespmem:s14], [sflag:$0x2] =	stream.linear.gather [hbm4b:s20+s4], $0x80, $0x38;
	[tilespmem:$0x18100] =	vst v63  }
0x2c: {  	_ =	swait.ge [sflag:s12], $0x80  }
0x2d: {  	[sflag:s12] =	ssyncset.done $0x0  }
0x2e: {  	[sflag:s12] =	ssyncadd.s32 $0xFFFFFF80  }
0x2f: {  	[tilespmem:s16], [sflag:$0x1] =	stream.indirect.gather [hbm4b:s1+s15], $0x80, s13, s15, $0xb8;
	[tilespmem:$0x18100] =	vst v63  }
0x30: {  	_ =	swait.ge [sflag:s17], $0x4000  }
.Ltmp0:
0x31: {  	[sflag:s17] =	ssyncset.done $0x0;
	(pc) =	sbr.rel @p0 .LBB2_2-.Ltmp0, $4  }
0x32: {  	[sflag:s17] =	ssyncadd.s32 $0xFFFFC000  }
0x33: {  	[spmem:s3] =	stream.indirect.scatter.add.f32 [tilespmem:s16], [sflag:$0x2], $0x80, s14, s15, $0xb8;
	[tilespmem:$0x18100] =	vst v63  }
0x34: {  	_ =	swait.ge [sflag:s12], $0x4000  }
0x35: {  	s20 =	smov.u32 s23;
	[sflag:s12] =	ssyncset.done $0x0  }
0x36: {  	s20 =	sadd.s32 s19, s9;
	[sflag:s12] =	ssyncadd.s32 $0xFFFFC000  }
0x37: {  	[tilespmem:s13], [sflag:$0x2] =	stream.linear.gather [hbm4b:s20+s4], $0x80, $0x38;
	[tilespmem:$0x18100] =	vst v63  }
0x38: {  	_ =	swait.ge [sflag:s12], $0x80  }
0x39: {  	[sflag:s12] =	ssyncset.done $0x0  }
0x3a: {  	s31 =	sadd.s32 s19, s10;
	[sflag:s12] =	ssyncadd.s32 $0xFFFFFF80  }
0x3b: {  	[tilespmem:s14], [sflag:$0x2] =	stream.linear.gather [hbm4b:s31+s4], $0x80, $0x38;
	[tilespmem:$0x18100] =	vst v63  }
0x3c: {  	_ =	swait.ge [sflag:s12], $0x80  }
0x3d: {  	[sflag:s12] =	ssyncset.done $0x0  }
0x3e: {  	[sflag:s12] =	ssyncadd.s32 $0xFFFFFF80  }
0x3f: {  	[tilespmem:s16], [sflag:$0x1] =	stream.indirect.gather [hbm4b:s1+s15], $0x80, s13, s15, $0xb8;
	[tilespmem:$0x18100] =	vst v63  }
0x40: {  	_ =	swait.ge [sflag:s17], $0x4000  }
0x41: {  	[sflag:s17] =	ssyncset.done $0x0  }
0x42: {  	[sflag:s17] =	ssyncadd.s32 $0xFFFFC000  }
0x43: {  	[spmem:s3] =	stream.indirect.scatter.add.f32 [tilespmem:s16], [sflag:$0x2], $0x80, s14, s15, $0xb8;
	[tilespmem:$0x18100] =	vst v63  }
0x44: {  	_ =	swait.ge [sflag:s12], $0x4000  }
0x45: {  	s18 =	sadd.s32 $0x1, s18;
	[sflag:s12] =	ssyncset.done $0x0  }
0x46: {  	p0 =	sne.s32 s18, s8;
	[sflag:s12] =	ssyncadd.s32 $0xFFFFC000  }
.Ltmp1:
0x47: {  	[bflag:$0x0] =	sbarrier.arrive $0xFFFF;
	(pc) =	sbr.rel @p0 .LBB2_1-.Ltmp1, $4  }
0x48: {  	[hbm:s7], [sflag:s6] =	dma.local [spmem:s11], $0x2800  }
0x49: {  	_ =	swait.ge [sflag:s12], $0x2800  }
0x4a: {  	[sflag:s12] =	ssyncset.done $0x0  }
0x4b: {  	[sflag:s12] =	ssyncadd.s32 $0xFFFFD800  }
0x4c: {  	_ =	sfence.sel $0x180000  }
0x4d: {  	[bflag:$0x0] =	sbarrier.arrive $0xFFFF  }
0x4e: {  	p0 =	sne.s32 s2, $0x0;
	_ =	strace $0x9000004A  }
0x4f: {  	s0 =	sadd.s32 @!p0 $0x100000, s0;
	[bflag:$0x2] =	sbarrier.arrive $0xFFFF  }
0x50: {  	[sflag:s0] =	ssyncadd.tile.s32 @!p0 $0x1;
	_ =	shalt  }
.Lfunc_end2:
_tile_overlayer_lowered:
.L_overlay_start_2:
0x51: {  	(tag) =	ssettag $0x2  }
0x52: {  	s0 =	rddreg [dreg:$0x0];
	s2 =	stileid.u32  }
0x53: {  	s1 =	rddreg [dreg:$0x1];
	p0 =	sne.s32 s2, $0x0  }
0x54: {  	s3 =	rddreg [dreg:$0x2];
	[bflag:$0x3] =	sbarrier.arrive $0xFFFF;
	s2 =	simm.s32 @!p0 $0x1C02  }
0x55: {  	[timem:s3], [sflag:s2] =	dma.local @!p0 [hbm:s0], s1  }
0x56: {  	s0 =	simm.s32 @!p0 $0x2  }
0x57: {  	_ =	swait.ge @!p0 [sflag:s0], s1  }
0x58: {  	s1 =	ssub.s32 @!p0 $0x0, s1;
	[sflag:s0] =	ssyncset.done @!p0 $0x0  }
0x59: {  	[sflag:s0] =	ssyncadd.s32 @!p0 s1  }
0x5a: {  	[bflag:$0x3] =	sbarrier.arrive $0xFFFF  }
0x5b: {  	_ =	shalt  }

// kernel: kernel.13.cloned.1.call-start
scs
__scs_entry_jumppad:
0x0: {  	(pc) =	sbr.rel $0x88, $3  }
0x1: {  	(tag) =	ssettag $0x0;
	lr =	simm.s32 $0x1  }
0x2: {  	[smem:$0x3F97] =	sst lr;
	_ =	strace $0xD0000000  }
0x3: {  	_ = 	snop  }
0x4: {  	_ = 	snop  }
0x5: {  	_ = 	snop  }
0x6: {  	_ = 	snop  }
0x7: {  	_ = 	snop  }
__scs_overlays_trampoline_lowered:
0x8: {  	[smem:$0x3FA6] =	sst s0  }
0x9: {  	[smem:$0x3FA7] =	sst s1  }
0xa: {  	[smem:$0x3FA8] =	sst s2  }
0xb: {  	[smem:$0x3FA9] =	sst s3  }
0xc: {  	[smem:$0x3FAA] =	sst s4  }
0xd: {  	[smem:$0x3FAB] =	sst s5  }
0xe: {  	[smem:$0x3FAC] =	sst s6  }
0xf: {  	[smem:$0x3FAD] =	sst s7  }
0x10: {  	[smem:$0x3FAE] =	sst s8  }
0x11: {  	[smem:$0x3FAF] =	sst s9;
	s0 =	simm.s32 @!p0 $0x0  }
0x12: {  	s1 =	sld [smem:$0x3F95];
	s0 =	simm.s32 @p0 $0x1  }
0x13: {  	[smem:$0x3FB0] =	sst s0;
	s0 =	simm.s32 @!p1 $0x0  }
0x14: {  	s2 =	sld [smem:$0x3F94];
	s0 =	simm.s32 @p1 $0x1  }
0x15: {  	[smem:$0x3FB1] =	sst s0;
	s0 =	simm.s32 @!p2 $0x0  }
0x16: {  	s3 =	sld [smem:$0x3FDB];
	s0 =	simm.s32 @p2 $0x1  }
0x17: {  	s4 =	simm.s32 $0x1BF5;
	[smem:$0x3FB3] =	sst s0  }
0x18: {  	s0 =	sld [smem:$0x3F96];
	_ =	swait.ge [sflag:s4], $0x0  }
0x19: {  	s7 =	sld [smem:$0x3F97]  }
0x1a: {  	s8 =	sadd.s32 $0xFFFFE003, lr  }
0x1b: {  	s9 =	sadd.s32 $0xFFFFFEF7, lr;
	s5 =	simm.s32 $0xFFFFFFFF;
	p2 =	slt.u32 s8, $0xFFFFF086  }
0x1c: {  	p1 =	slt.u32 s9, $0xF7A;
	s5 =	simm.s32 @!p2 $0x0  }
0x1d: {  	s5 =	simm.s32 @p1 $0x1;
	p0 =	seq.s32 s7, s2  }
0x1e: {  	s7 =	smul.u32 @!p0 $0xF7A, s2;
	p2 =	seq.s32 @!p0 s5, $0x0  }
0x1f: {  	s9 =	smul.u32 $0xF7A, s1;
	s8 =	simm.s32 @!p0 $0x1BF5;
	p2 =	por !p2, p0  }
0x20: {  	[sflag:s8] =	ssyncset.s32 @!p0 $0xFFFFF086;
	s6 =	sadd.s32 @!p0 s3, s7;
	s7 =	simm.s32 @!p0 $0x108  }
0x21: {  	s3 =	sadd.s32 s3, s9;
	s6 =	sadd.s32 @!p0 $0x88, s6;
	s7 =	simm.s32 @p2 $0x1082  }
0x22: {  	[simem:s7], [sflag:s8] =	dma.local @!p0 [hbm:s6], $0xF7A  }
0x23: {  	s9 =	sor.u32 $0xD0000000, s2;
	s6 =	simm.s32 $0x108;
	_ =	swait.ge @!p0 [sflag:s8], $0x0  }
0x24: {  	s3 =	sadd.s32 $0x88, s3;
	s6 =	simm.s32 @!p1 $0x1082;
	[sflag:s4] =	ssyncset.s32 $0xFFFFF086  }
0x25: {  	[simem:s6], [sflag:s4] =	dma.local [hbm:s3], $0xF7A  }
0x26: {  	[smem:$0x3F97] =	sst s1;
	(tag) =	ssettag s2;
	_ =	strace s9  }
0x27: {  	s1 =	sld [smem:$0x3FA7]  }
0x28: {  	s2 =	sld [smem:$0x3FA8]  }
0x29: {  	s4 =	sld [smem:$0x3FAA]  }
0x2a: {  	p0 =	seq.s32 s5, $0x0;
	s5 =	sld [smem:$0x3FAB]  }
0x2b: {  	s6 =	sld [smem:$0x3FAC]  }
0x2c: {  	s7 =	sld [smem:$0x3FAD]  }
0x2d: {  	s3 =	simm.s32 $0x108;
	s8 =	sld [smem:$0x3FAE]  }
0x2e: {  	s3 =	simm.s32 @!p0 $0x1082;
	s9 =	sld [smem:$0x3FAF]  }
0x2f: {  	lr =	sadd.s32 s0, s3;
	s0 =	sld [smem:$0x3FA6]  }
0x30: {  	s3 =	sld [smem:$0x3FA9]  }
0x31: {  	[smem:$0x3FB2] =	sst s10  }
0x32: {  	s10 =	sld [smem:$0x3FB0];
	_ =	sdelay $0x3  }
0x33: {  	p0 =	seq.s32 s10, $0x1;
	s10 =	sld [smem:$0x3FB2];
	_ =	sdelay $0x3  }
0x34: {  	[smem:$0x3FB2] =	sst s10  }
0x35: {  	s10 =	sld [smem:$0x3FB1];
	_ =	sdelay $0x3  }
0x36: {  	p1 =	seq.s32 s10, $0x1;
	s10 =	sld [smem:$0x3FB2];
	_ =	sdelay $0x3  }
0x37: {  	[smem:$0x3FB2] =	sst s10  }
0x38: {  	s10 =	sld [smem:$0x3FB3]  }
0x39: {  	_ = 	snop;
	(pc) =	sbr.ind lr, $3  }
0x3a: {  	_ = 	snop  }
0x3b: {  	_ = 	snop  }
0x3c: {  	p2 =	seq.s32 s10, $0x1;
	s10 =	sld [smem:$0x3FB2]  }
0x3d: {  	_ =	shalt  }
0x3e: {  	_ =	shalt  }
0x3f: {  	_ =	shalt  }
0x40: {  	_ =	shalt  }
0x41: {  	_ =	shalt  }
0x42: {  	_ =	shalt  }
0x43: {  	_ =	shalt  }
0x44: {  	_ =	shalt  }
0x45: {  	_ =	shalt  }
0x46: {  	_ =	shalt  }
0x47: {  	_ =	shalt  }
0x48: {  	_ =	shalt  }
0x49: {  	_ =	shalt  }
0x4a: {  	_ =	shalt  }
0x4b: {  	_ =	shalt  }
0x4c: {  	_ =	shalt  }
0x4d: {  	_ =	shalt  }
0x4e: {  	_ =	shalt  }
0x4f: {  	_ =	shalt  }
0x50: {  	_ =	shalt  }
0x51: {  	_ =	shalt  }
0x52: {  	_ =	shalt  }
0x53: {  	_ =	shalt  }
0x54: {  	_ =	shalt  }
0x55: {  	_ =	shalt  }
0x56: {  	_ =	shalt  }
0x57: {  	_ =	shalt  }
0x58: {  	_ =	shalt  }
0x59: {  	_ =	shalt  }
0x5a: {  	_ =	shalt  }
0x5b: {  	_ =	shalt  }
0x5c: {  	_ =	shalt  }
0x5d: {  	_ =	shalt  }
0x5e: {  	_ =	shalt  }
0x5f: {  	_ =	shalt  }
0x60: {  	_ =	shalt  }
0x61: {  	_ =	shalt  }
0x62: {  	_ =	shalt  }
0x63: {  	_ =	shalt  }
0x64: {  	_ =	shalt  }
0x65: {  	_ =	shalt  }
0x66: {  	_ =	shalt  }
0x67: {  	_ =	shalt  }
0x68: {  	_ =	shalt  }
0x69: {  	_ =	shalt  }
0x6a: {  	_ =	shalt  }
0x6b: {  	_ =	shalt  }
0x6c: {  	_ =	shalt  }
0x6d: {  	_ =	shalt  }
0x6e: {  	_ =	shalt  }
0x6f: {  	_ =	shalt  }
0x70: {  	_ =	shalt  }
0x71: {  	_ =	shalt  }
0x72: {  	_ =	shalt  }
0x73: {  	_ =	shalt  }
0x74: {  	_ =	shalt  }
0x75: {  	_ =	shalt  }
0x76: {  	_ =	shalt  }
0x77: {  	_ =	shalt  }
0x78: {  	_ =	shalt  }
0x79: {  	_ =	shalt  }
0x7a: {  	_ =	shalt  }
0x7b: {  	_ =	shalt  }
0x7c: {  	_ =	shalt  }
0x7d: {  	_ =	shalt  }
0x7e: {  	_ =	shalt  }
0x7f: {  	_ =	shalt  }
0x80: {  	_ =	shalt  }
0x81: {  	_ =	shalt  }
0x82: {  	_ =	shalt  }
0x83: {  	_ =	shalt  }
0x84: {  	_ =	shalt  }
0x85: {  	_ =	shalt  }
0x86: {  	_ =	shalt  }
0x87: {  	_ =	shalt  }
.Lfunc_end0:
.L_simem_size_0:
called_computation.2_lowered:
.L_overlay_start_0:
0x88: {  	s2 =	sld [smem:$0x3FD9]  }
0x89: {  	s3 =	sld [smem:$0x3FFE];
	_ =	sdelay $0x1  }
0x8a: {  	s1 =	srdreg.scid  }
0x8b: {  	s0 =	sand.u32 $0x1, s1  }
0x8c: {  	s17 =	sshll.u32 s0, $0xA;
	s2 =	sadd.s32 s3, s2  }
0x8d: {  	s2 =	sadd.s32 s2, s17  }
0x8e: {  	[smem:$0x3FBE] =	sst s2  }
0x8f: {  	_ = 	snop  }
0x90: {  	s2 =	sld [smem:$0x3FD0];
	(tm) =	ssettm $0x1  }
0x91: {  	s18 =	sld [smem:$0x3FFB];
	_ =	sdelay $0x3  }
0x92: {  	_ =	strace s18  }
0x93: {  	s3 =	sld [smem:$0x3FFC];
	_ =	sdelay $0x3  }
0x94: {  	_ =	strace s3  }
0x95: {  	s3 =	sld [smem:$0x3FFD];
	_ =	sdelay $0x3  }
0x96: {  	_ =	strace s3  }
0x97: {  	_ =	strace $0x8FFFFFFF  }
0x98: {  	s19 =	sld [smem:$0x3FDB];
	_ =	sdelay $0x1  }
0x99: {  	s4 =	simm.s32 $_scs_section_size  }
0x9a: {  	s5 =	simm.s32 $_size__tile_overlayer_lowered;
	s6 =	simm.s32 $_tile_overlayer_lowered  }
0x9b: {  	s22 =	simm.s32 $0x1BFF;
	s21 =	sshll.u32 s6, $0x1;
	s3 =	sadd.s32 s4, s19  }
0x9c: {  	s7 =	simm.s32 $0x0;
	s20 =	sshll.u32 s5, $0x1;
	s5 =	sadd.s32 s21, s3  }
0x9d: {  	[timem:s7], [sflag:s22] =	dma.local [hbm:s5], s20  }
0x9e: {  	_ =	swait.ge [sflag:s22], s20  }
0x9f: {  	s4 =	ssub.s32 $0x0, s20;
	[sflag:s22] =	ssyncset.done $0x0  }
0xa0: {  	[sflag:s22] =	ssyncadd.s32 s4;
	_ =	sdelay $0x1  }
0xa1: {  	s23 =	simm.s32 $0x1B8B  }
0xa2: {  	_ =	swait.ge [sflag:s23], $0x1  }
0xa3: {  	[sflag:s23] =	ssyncset.done $0x0  }
0xa4: {  	s25 =	simm.s32 $0x1B8E;
	s24 =	sld [smem:$0x3FFE];
	[sflag:s23] =	ssyncadd.s32 $0xFFFFFFFF  }
0xa5: {  	s26 =	simm.s32 $execute0_lowered;
	[smem:$0x3FD2] =	sst s25  }
0xa6: {  	s5 =	sshll.u32 s26, $0x1;
	_ =	strace $0x8000004C;
	[dreg:$0x1] =	wrdreg $0xFFFFFFFF  }
0xa7: {  	s28 =	simm.s32 $_size_execute0_lowered;
	s3 =	sadd.s32 s3, s5;
	[dreg:$0x0] =	wrdreg $0x0  }
0xa8: {  	s5 =	sshll.u32 s28, $0x1;
	[dreg:$0x2] =	wrdreg s3  }
0xa9: {  	[dreg:$0x3] =	wrdreg s5  }
0xaa: {  	[dreg:$0x4] =	wrdreg $0xC0  }
0xab: {  	_ =	task [dreg:s7], $0x5FFFF  }
0xac: {  	[dreg:$0x1] =	wrdreg $0xFFFFFFFF  }
0xad: {  	[dreg:$0x0] =	wrdreg $0x60  }
0xae: {  	[dreg:$0x2] =	wrdreg s2  }
0xaf: {  	[dreg:$0x3] =	wrdreg s24  }
0xb0: {  	[dreg:$0x4] =	wrdreg $0x0  }
0xb1: {  	[dreg:$0x5] =	wrdreg $0x9  }
0xb2: {  	_ =	task.clear_ibuf [dreg:s7], $0x6FFFF;
	_ =	strace $0x9000004C  }
0xb3: {  	s29 =	simm.s32 $0x9;
	_ =	strace $0x8000004E  }
0xb4: {  	_ =	swait.ge [sflag:s29], $0x1  }
0xb5: {  	[sflag:s29] =	ssyncadd.s32 $0xFFFFFFFF  }
0xb6: {  	_ =	strace $0x9000004E  }
0xb7: {  	_ =	sfence  }
0xb8: {  	s30 =	sld [smem:$0x0];
	_ =	sdelay $0x2  }
0xb9: {  	s31 =	sshll.u32 s1, $0xD;
	s1 =	sshrl.u32 s1, $0x2  }
0xba: {  	s3 =	sand.u32 $0x4000, s31;
	s1 =	sadd.s32 s1, s30  }
0xbb: {  	s0 =	sor.u32 s3, s0;
	s1 =	sshll.u32 s1, $0x11  }
0xbc: {  	s0 =	sor.u32 s1, s0  }
0xbd: {  	s0 =	sadd.s32 $0x8F2B, s0  }
0xbe: {  	[sflag:s0] =	ssyncadd.remote.s32 $0x1  }
0xbf: {  	_ =	sfence.sel $0xFFFF  }
0xc0: {  	[dreg:$0x0] =	wrdreg $0xFFFFFFFF;
	(pc) =	sbr.abs _section_cstart, $3  }
0xc1: {  	[dreg:$0x1] =	wrdreg $0xFFFFFFFF  }
0xc2: {  	_ =	task.clear_ibuf [dreg:s7], $0x2FFFF;
	_ =	strace $0x9FFFFFFF  }
0xc3: {  	(tm) =	ssettm $0x7FFFFFFF  }
tec
execute0_lowered:
.L_overlay_start_1:
0x0: {  	(tag) =	ssettag $0x1  }
0x1: {  	s1 =	rddreg [dreg:$0x0]  }
0x2: {  	s5 =	rddreg [dreg:$0x1]  }
0x3: {  	s3 =	rddreg [dreg:$0x2]  }
0x4: {  	s0 =	rddreg [dreg:$0x3]  }
0x5: {  	s4 =	simm.s32 $0x0;
	s2 =	stileid.u32;
	s6 =	srdreg.scid  }
0x6: {  	s14 =	simm.s32 $0x14080;
	s15 =	simm.s32 $0x80;
	s16 =	simm.s32 $0x14100  }
0x7: {  	s17 =	simm.s32 $0x1;
	s18 =	simm.s32 $0x0;
	[smem:$0x7FF] =	sst s4  }
0x8: {  	s7 =	smul.u32 $0x2800, s2;
	s6 =	sand.u32 $0x1, s6;
	s8 =	sshll.u32 s2, $0x5  }
0x9: {  	s11 =	smul.u32 $0x50000, s2;
	s30 =	sshll.u32 s2, $0x6;
	_ =	strace $0x8000004D  }
0xa: {  	s9 =	smul.u32 $0x28000, s6;
	s8 =	sadd.s32 s8, s5;
	s10 =	ssub.s32 $0x2, s6  }
0xb: {  	s13 =	sshll.u32 s6, $0x4;
	s6 =	sor.u32 $0x1C02, s30;
	s12 =	sadd.s32 s7, s5  }
0xc: {  	s28 =	sshrl.u32 s10, $0x1;
	s29 =	sshrl.u32 s11, $0x2;
	s31 =	sadd.s32 s13, s8  }
0xd: {  	s13 =	simm.s32 $0x14000;
	s7 =	sadd.s32 s7, s9;
	s9 =	ssub.s32 s10, s28  }
0xe: {  	s11 =	sadd.s32 s29, s3;
	s10 =	sadd.s32 $0x2400, s31;
	s7 =	sadd.s32 s7, s5  }
0xf: {  	s5 =	sadd.s32 $0xC200, s12;
	s8 =	smax.u32 s9, $0x1;
	s9 =	sadd.s32 $0x84200, s31  }
0x10: {  	s11 =	sshrl.u32 s11, $0x3;
	s12 =	simm.s32 $0x2;
	s7 =	sadd.s32 $0x8E000, s7  }
.LBB2_1:
0x11: {  	[spmem:s11], [sflag:s6] =	dma.local [hbm:s5], $0x2800  }
0x12: {  	_ =	swait.ge [sflag:s12], $0x2800  }
0x13: {  	[sflag:s12] =	ssyncset.done $0x0  }
0x14: {  	[sflag:s12] =	ssyncadd.s32 $0xFFFFD800  }
0x15: {  	s19 =	sadd.s32 $0x0, s9;
	[bflag:$0x0] =	sbarrier.arrive $0xFFFF  }
0x16: {  	[tilespmem:s13], [sflag:$0x2] =	stream.linear.gather [hbm4b:s19+s4], $0x80, $0x38;
	[tilespmem:$0x18100] =	vst v63  }
0x17: {  	_ =	swait.ge [sflag:s12], $0x80  }
0x18: {  	[sflag:s12] =	ssyncset.done $0x0  }
0x19: {  	s31 =	sadd.s32 $0x0, s10;
	[sflag:s12] =	ssyncadd.s32 $0xFFFFFF80  }
0x1a: {  	[tilespmem:s14], [sflag:$0x2] =	stream.linear.gather [hbm4b:s31+s4], $0x80, $0x38;
	[tilespmem:$0x18100] =	vst v63  }
0x1b: {  	_ =	swait.ge [sflag:s12], $0x80  }
0x1c: {  	[sflag:s12] =	ssyncset.done $0x0  }
0x1d: {  	[sflag:s12] =	ssyncadd.s32 $0xFFFFFF80  }
0x1e: {  	[tilespmem:s16], [sflag:$0x1] =	stream.indirect.gather [hbm4b:s1+s15], $0x80, s13, s15, $0xb8;
	[tilespmem:$0x18100] =	vst v63  }
0x1f: {  	_ =	swait.ge [sflag:s17], $0x4000  }
0x20: {  	[sflag:s17] =	ssyncset.done $0x0  }
0x21: {  	[sflag:s17] =	ssyncadd.s32 $0xFFFFC000  }
0x22: {  	[spmem:s3] =	stream.indirect.scatter.add.f32 [tilespmem:s16], [sflag:$0x2], $0x80, s14, s15, $0xb8;
	[tilespmem:$0x18100] =	vst v63  }
0x23: {  	_ =	swait.ge [sflag:s12], $0x4000  }
0x24: {  	s20 =	simm.s32 $0x400;
	s19 =	simm.s32 $0x200;
	[sflag:s12] =	ssyncset.done $0x0  }
.LBB2_2:
0x25: {  	s21 =	sadd.s32 s19, s9  }
0x26: {  	[sflag:s12] =	ssyncadd.s32 $0xFFFFC000;
	s22 =	smov.u32 s20;
	s23 =	sadd.s32 $0x200, s20  }
0x27: {  	[tilespmem:s13], [sflag:$0x2] =	stream.linear.gather [hbm4b:s21+s4], $0x80, $0x38;
	[tilespmem:$0x18100] =	vst v63  }
0x28: {  	p0 =	sne.s32 s20, $0x9C00;
	_ =	swait.ge [sflag:s12], $0x80  }
0x29: {  	[sflag:s12] =	ssyncset.done $0x0  }
0x2a: {  	s20 =	sadd.s32 s19, s10;
	s19 =	smov.u32 s22;
	[sflag:s12] =	ssyncadd.s32 $0xFFFFFF80  }
0x2b: {  	[tilespmem:s14], [sflag:$0x2] =	stream.linear.gather [hbm4b:s20+s4], $0x80, $0x38;
	[tilespmem:$0x18100] =	vst v63  }
0x2c: {  	_ =	swait.ge [sflag:s12], $0x80  }
0x2d: {  	[sflag:s12] =	ssyncset.done $0x0  }
0x2e: {  	[sflag:s12] =	ssyncadd.s32 $0xFFFFFF80  }
0x2f: {  	[tilespmem:s16], [sflag:$0x1] =	stream.indirect.gather [hbm4b:s1+s15], $0x80, s13, s15, $0xb8;
	[tilespmem:$0x18100] =	vst v63  }
0x30: {  	_ =	swait.ge [sflag:s17], $0x4000  }
.Ltmp0:
0x31: {  	[sflag:s17] =	ssyncset.done $0x0;
	(pc) =	sbr.rel @p0 .LBB2_2-.Ltmp0, $4  }
0x32: {  	[sflag:s17] =	ssyncadd.s32 $0xFFFFC000  }
0x33: {  	[spmem:s3] =	stream.indirect.scatter.add.f32 [tilespmem:s16], [sflag:$0x2], $0x80, s14, s15, $0xb8;
	[tilespmem:$0x18100] =	vst v63  }
0x34: {  	_ =	swait.ge [sflag:s12], $0x4000  }
0x35: {  	s20 =	smov.u32 s23;
	[sflag:s12] =	ssyncset.done $0x0  }
0x36: {  	s20 =	sadd.s32 s19, s9;
	[sflag:s12] =	ssyncadd.s32 $0xFFFFC000  }
0x37: {  	[tilespmem:s13], [sflag:$0x2] =	stream.linear.gather [hbm4b:s20+s4], $0x80, $0x38;
	[tilespmem:$0x18100] =	vst v63  }
0x38: {  	_ =	swait.ge [sflag:s12], $0x80  }
0x39: {  	[sflag:s12] =	ssyncset.done $0x0  }
0x3a: {  	s31 =	sadd.s32 s19, s10;
	[sflag:s12] =	ssyncadd.s32 $0xFFFFFF80  }
0x3b: {  	[tilespmem:s14], [sflag:$0x2] =	stream.linear.gather [hbm4b:s31+s4], $0x80, $0x38;
	[tilespmem:$0x18100] =	vst v63  }
0x3c: {  	_ =	swait.ge [sflag:s12], $0x80  }
0x3d: {  	[sflag:s12] =	ssyncset.done $0x0  }
0x3e: {  	[sflag:s12] =	ssyncadd.s32 $0xFFFFFF80  }
0x3f: {  	[tilespmem:s16], [sflag:$0x1] =	stream.indirect.gather [hbm4b:s1+s15], $0x80, s13, s15, $0xb8;
	[tilespmem:$0x18100] =	vst v63  }
0x40: {  	_ =	swait.ge [sflag:s17], $0x4000  }
0x41: {  	[sflag:s17] =	ssyncset.done $0x0  }
0x42: {  	[sflag:s17] =	ssyncadd.s32 $0xFFFFC000  }
0x43: {  	[spmem:s3] =	stream.indirect.scatter.add.f32 [tilespmem:s16], [sflag:$0x2], $0x80, s14, s15, $0xb8;
	[tilespmem:$0x18100] =	vst v63  }
0x44: {  	_ =	swait.ge [sflag:s12], $0x4000  }
0x45: {  	s18 =	sadd.s32 $0x1, s18;
	[sflag:s12] =	ssyncset.done $0x0  }
0x46: {  	p0 =	sne.s32 s18, s8;
	[sflag:s12] =	ssyncadd.s32 $0xFFFFC000  }
.Ltmp1:
0x47: {  	[bflag:$0x0] =	sbarrier.arrive $0xFFFF;
	(pc) =	sbr.rel @p0 .LBB2_1-.Ltmp1, $4  }
0x48: {  	[hbm:s7], [sflag:s6] =	dma.local [spmem:s11], $0x2800  }
0x49: {  	_ =	swait.ge [sflag:s12], $0x2800  }
0x4a: {  	[sflag:s12] =	ssyncset.done $0x0  }
0x4b: {  	[sflag:s12] =	ssyncadd.s32 $0xFFFFD800  }
0x4c: {  	_ =	sfence.sel $0x180000  }
0x4d: {  	[bflag:$0x0] =	sbarrier.arrive $0xFFFF  }
0x4e: {  	p0 =	sne.s32 s2, $0x0;
	_ =	strace $0x9000004D  }
0x4f: {  	s0 =	sadd.s32 @!p0 $0x100000, s0;
	[bflag:$0x2] =	sbarrier.arrive $0xFFFF  }
0x50: {  	[sflag:s0] =	ssyncadd.tile.s32 @!p0 $0x1;
	_ =	shalt  }
.Lfunc_end2:
_tile_overlayer_lowered:
.L_overlay_start_2:
0x51: {  	(tag) =	ssettag $0x2  }
0x52: {  	s0 =	rddreg [dreg:$0x0];
	s2 =	stileid.u32  }
0x53: {  	s1 =	rddreg [dreg:$0x1];
	p0 =	sne.s32 s2, $0x0  }
0x54: {  	s3 =	rddreg [dreg:$0x2];
	[bflag:$0x3] =	sbarrier.arrive $0xFFFF;
	s2 =	simm.s32 @!p0 $0x1C02  }
0x55: {  	[timem:s3], [sflag:s2] =	dma.local @!p0 [hbm:s0], s1  }
0x56: {  	s0 =	simm.s32 @!p0 $0x2  }
0x57: {  	_ =	swait.ge @!p0 [sflag:s0], s1  }
0x58: {  	s1 =	ssub.s32 @!p0 $0x0, s1;
	[sflag:s0] =	ssyncset.done @!p0 $0x0  }
0x59: {  	[sflag:s0] =	ssyncadd.s32 @!p0 s1  }
0x5a: {  	[bflag:$0x3] =	sbarrier.arrive $0xFFFF  }
0x5b: {  	_ =	shalt  }

// kernel: kernel.7.cloned.1.call-start
scs
__scs_entry_jumppad:
0x0: {  	(pc) =	sbr.rel $0x88, $3  }
0x1: {  	(tag) =	ssettag $0x0;
	lr =	simm.s32 $0x1  }
0x2: {  	[smem:$0x3F97] =	sst lr;
	_ =	strace $0xD0000000  }
0x3: {  	_ = 	snop  }
0x4: {  	_ = 	snop  }
0x5: {  	_ = 	snop  }
0x6: {  	_ = 	snop  }
0x7: {  	_ = 	snop  }
__scs_overlays_trampoline_lowered:
0x8: {  	[smem:$0x3FA6] =	sst s0  }
0x9: {  	[smem:$0x3FA7] =	sst s1  }
0xa: {  	[smem:$0x3FA8] =	sst s2  }
0xb: {  	[smem:$0x3FA9] =	sst s3  }
0xc: {  	[smem:$0x3FAA] =	sst s4  }
0xd: {  	[smem:$0x3FAB] =	sst s5  }
0xe: {  	[smem:$0x3FAC] =	sst s6  }
0xf: {  	[smem:$0x3FAD] =	sst s7  }
0x10: {  	[smem:$0x3FAE] =	sst s8  }
0x11: {  	[smem:$0x3FAF] =	sst s9;
	s0 =	simm.s32 @!p0 $0x0  }
0x12: {  	s1 =	sld [smem:$0x3F95];
	s0 =	simm.s32 @p0 $0x1  }
0x13: {  	[smem:$0x3FB0] =	sst s0;
	s0 =	simm.s32 @!p1 $0x0  }
0x14: {  	s2 =	sld [smem:$0x3F94];
	s0 =	simm.s32 @p1 $0x1  }
0x15: {  	[smem:$0x3FB1] =	sst s0;
	s0 =	simm.s32 @!p2 $0x0  }
0x16: {  	s3 =	sld [smem:$0x3FDB];
	s0 =	simm.s32 @p2 $0x1  }
0x17: {  	s4 =	simm.s32 $0x1BF5;
	[smem:$0x3FB3] =	sst s0  }
0x18: {  	s0 =	sld [smem:$0x3F96];
	_ =	swait.ge [sflag:s4], $0x0  }
0x19: {  	s7 =	sld [smem:$0x3F97]  }
0x1a: {  	s8 =	sadd.s32 $0xFFFFE003, lr  }
0x1b: {  	s9 =	sadd.s32 $0xFFFFFEF7, lr;
	s5 =	simm.s32 $0xFFFFFFFF;
	p2 =	slt.u32 s8, $0xFFFFF086  }
0x1c: {  	p1 =	slt.u32 s9, $0xF7A;
	s5 =	simm.s32 @!p2 $0x0  }
0x1d: {  	s5 =	simm.s32 @p1 $0x1;
	p0 =	seq.s32 s7, s2  }
0x1e: {  	s7 =	smul.u32 @!p0 $0xF7A, s2;
	p2 =	seq.s32 @!p0 s5, $0x0  }
0x1f: {  	s9 =	smul.u32 $0xF7A, s1;
	s8 =	simm.s32 @!p0 $0x1BF5;
	p2 =	por !p2, p0  }
0x20: {  	[sflag:s8] =	ssyncset.s32 @!p0 $0xFFFFF086;
	s6 =	sadd.s32 @!p0 s3, s7;
	s7 =	simm.s32 @!p0 $0x108  }
0x21: {  	s3 =	sadd.s32 s3, s9;
	s6 =	sadd.s32 @!p0 $0x88, s6;
	s7 =	simm.s32 @p2 $0x1082  }
0x22: {  	[simem:s7], [sflag:s8] =	dma.local @!p0 [hbm:s6], $0xF7A  }
0x23: {  	s9 =	sor.u32 $0xD0000000, s2;
	s6 =	simm.s32 $0x108;
	_ =	swait.ge @!p0 [sflag:s8], $0x0  }
0x24: {  	s3 =	sadd.s32 $0x88, s3;
	s6 =	simm.s32 @!p1 $0x1082;
	[sflag:s4] =	ssyncset.s32 $0xFFFFF086  }
0x25: {  	[simem:s6], [sflag:s4] =	dma.local [hbm:s3], $0xF7A  }
0x26: {  	[smem:$0x3F97] =	sst s1;
	(tag) =	ssettag s2;
	_ =	strace s9  }
0x27: {  	s1 =	sld [smem:$0x3FA7]  }
0x28: {  	s2 =	sld [smem:$0x3FA8]  }
0x29: {  	s4 =	sld [smem:$0x3FAA]  }
0x2a: {  	p0 =	seq.s32 s5, $0x0;
	s5 =	sld [smem:$0x3FAB]  }
0x2b: {  	s6 =	sld [smem:$0x3FAC]  }
0x2c: {  	s7 =	sld [smem:$0x3FAD]  }
0x2d: {  	s3 =	simm.s32 $0x108;
	s8 =	sld [smem:$0x3FAE]  }
0x2e: {  	s3 =	simm.s32 @!p0 $0x1082;
	s9 =	sld [smem:$0x3FAF]  }
0x2f: {  	lr =	sadd.s32 s0, s3;
	s0 =	sld [smem:$0x3FA6]  }
0x30: {  	s3 =	sld [smem:$0x3FA9]  }
0x31: {  	[smem:$0x3FB2] =	sst s10  }
0x32: {  	s10 =	sld [smem:$0x3FB0];
	_ =	sdelay $0x3  }
0x33: {  	p0 =	seq.s32 s10, $0x1;
	s10 =	sld [smem:$0x3FB2];
	_ =	sdelay $0x3  }
0x34: {  	[smem:$0x3FB2] =	sst s10  }
0x35: {  	s10 =	sld [smem:$0x3FB1];
	_ =	sdelay $0x3  }
0x36: {  	p1 =	seq.s32 s10, $0x1;
	s10 =	sld [smem:$0x3FB2];
	_ =	sdelay $0x3  }
0x37: {  	[smem:$0x3FB2] =	sst s10  }
0x38: {  	s10 =	sld [smem:$0x3FB3]  }
0x39: {  	_ = 	snop;
	(pc) =	sbr.ind lr, $3  }
0x3a: {  	_ = 	snop  }
0x3b: {  	_ = 	snop  }
0x3c: {  	p2 =	seq.s32 s10, $0x1;
	s10 =	sld [smem:$0x3FB2]  }
0x3d: {  	_ =	shalt  }
0x3e: {  	_ =	shalt  }
0x3f: {  	_ =	shalt  }
0x40: {  	_ =	shalt  }
0x41: {  	_ =	shalt  }
0x42: {  	_ =	shalt  }
0x43: {  	_ =	shalt  }
0x44: {  	_ =	shalt  }
0x45: {  	_ =	shalt  }
0x46: {  	_ =	shalt  }
0x47: {  	_ =	shalt  }
0x48: {  	_ =	shalt  }
0x49: {  	_ =	shalt  }
0x4a: {  	_ =	shalt  }
0x4b: {  	_ =	shalt  }
0x4c: {  	_ =	shalt  }
0x4d: {  	_ =	shalt  }
0x4e: {  	_ =	shalt  }
0x4f: {  	_ =	shalt  }
0x50: {  	_ =	shalt  }
0x51: {  	_ =	shalt  }
0x52: {  	_ =	shalt  }
0x53: {  	_ =	shalt  }
0x54: {  	_ =	shalt  }
0x55: {  	_ =	shalt  }
0x56: {  	_ =	shalt  }
0x57: {  	_ =	shalt  }
0x58: {  	_ =	shalt  }
0x59: {  	_ =	shalt  }
0x5a: {  	_ =	shalt  }
0x5b: {  	_ =	shalt  }
0x5c: {  	_ =	shalt  }
0x5d: {  	_ =	shalt  }
0x5e: {  	_ =	shalt  }
0x5f: {  	_ =	shalt  }
0x60: {  	_ =	shalt  }
0x61: {  	_ =	shalt  }
0x62: {  	_ =	shalt  }
0x63: {  	_ =	shalt  }
0x64: {  	_ =	shalt  }
0x65: {  	_ =	shalt  }
0x66: {  	_ =	shalt  }
0x67: {  	_ =	shalt  }
0x68: {  	_ =	shalt  }
0x69: {  	_ =	shalt  }
0x6a: {  	_ =	shalt  }
0x6b: {  	_ =	shalt  }
0x6c: {  	_ =	shalt  }
0x6d: {  	_ =	shalt  }
0x6e: {  	_ =	shalt  }
0x6f: {  	_ =	shalt  }
0x70: {  	_ =	shalt  }
0x71: {  	_ =	shalt  }
0x72: {  	_ =	shalt  }
0x73: {  	_ =	shalt  }
0x74: {  	_ =	shalt  }
0x75: {  	_ =	shalt  }
0x76: {  	_ =	shalt  }
0x77: {  	_ =	shalt  }
0x78: {  	_ =	shalt  }
0x79: {  	_ =	shalt  }
0x7a: {  	_ =	shalt  }
0x7b: {  	_ =	shalt  }
0x7c: {  	_ =	shalt  }
0x7d: {  	_ =	shalt  }
0x7e: {  	_ =	shalt  }
0x7f: {  	_ =	shalt  }
0x80: {  	_ =	shalt  }
0x81: {  	_ =	shalt  }
0x82: {  	_ =	shalt  }
0x83: {  	_ =	shalt  }
0x84: {  	_ =	shalt  }
0x85: {  	_ =	shalt  }
0x86: {  	_ =	shalt  }
0x87: {  	_ =	shalt  }
.Lfunc_end0:
.L_simem_size_0:
called_computation_lowered:
.L_overlay_start_0:
0x88: {  	s2 =	sld [smem:$0x3FD9]  }
0x89: {  	s3 =	sld [smem:$0x3FFE];
	_ =	sdelay $0x1  }
0x8a: {  	s1 =	srdreg.scid  }
0x8b: {  	s0 =	sand.u32 $0x1, s1  }
0x8c: {  	s17 =	sshll.u32 s0, $0xA;
	s2 =	sadd.s32 s3, s2  }
0x8d: {  	s2 =	sadd.s32 s2, s17  }
0x8e: {  	[smem:$0x3FBE] =	sst s2  }
0x8f: {  	_ = 	snop  }
0x90: {  	s2 =	sld [smem:$0x3FD0];
	(tm) =	ssettm $0x1  }
0x91: {  	s18 =	sld [smem:$0x3FFB];
	_ =	sdelay $0x3  }
0x92: {  	_ =	strace s18  }
0x93: {  	s3 =	sld [smem:$0x3FFC];
	_ =	sdelay $0x3  }
0x94: {  	_ =	strace s3  }
0x95: {  	s3 =	sld [smem:$0x3FFD];
	_ =	sdelay $0x3  }
0x96: {  	_ =	strace s3  }
0x97: {  	_ =	strace $0x8FFFFFFF  }
0x98: {  	s19 =	sld [smem:$0x3FDB];
	_ =	sdelay $0x1  }
0x99: {  	s4 =	simm.s32 $_scs_section_size  }
0x9a: {  	s5 =	simm.s32 $_size__tile_overlayer_lowered;
	s6 =	simm.s32 $_tile_overlayer_lowered  }
0x9b: {  	s22 =	simm.s32 $0x1BFF;
	s21 =	sshll.u32 s6, $0x1;
	s3 =	sadd.s32 s4, s19  }
0x9c: {  	s7 =	simm.s32 $0x0;
	s20 =	sshll.u32 s5, $0x1;
	s5 =	sadd.s32 s21, s3  }
0x9d: {  	[timem:s7], [sflag:s22] =	dma.local [hbm:s5], s20  }
0x9e: {  	_ =	swait.ge [sflag:s22], s20  }
0x9f: {  	s4 =	ssub.s32 $0x0, s20;
	[sflag:s22] =	ssyncset.done $0x0  }
0xa0: {  	[sflag:s22] =	ssyncadd.s32 s4;
	_ =	sdelay $0x1  }
0xa1: {  	s23 =	simm.s32 $0x1B8B  }
0xa2: {  	_ =	swait.ge [sflag:s23], $0x1  }
0xa3: {  	[sflag:s23] =	ssyncset.done $0x0  }
0xa4: {  	s25 =	simm.s32 $0x1B8E;
	s24 =	sld [smem:$0x3FFE];
	[sflag:s23] =	ssyncadd.s32 $0xFFFFFFFF  }
0xa5: {  	s26 =	simm.s32 $execute0_lowered;
	[smem:$0x3FD2] =	sst s25  }
0xa6: {  	s5 =	sshll.u32 s26, $0x1;
	_ =	strace $0x80000046;
	[dreg:$0x1] =	wrdreg $0xFFFFFFFF  }
0xa7: {  	s28 =	simm.s32 $_size_execute0_lowered;
	s3 =	sadd.s32 s3, s5;
	[dreg:$0x0] =	wrdreg $0x0  }
0xa8: {  	s5 =	sshll.u32 s28, $0x1;
	[dreg:$0x2] =	wrdreg s3  }
0xa9: {  	[dreg:$0x3] =	wrdreg s5  }
0xaa: {  	[dreg:$0x4] =	wrdreg $0xC0  }
0xab: {  	_ =	task [dreg:s7], $0x5FFFF  }
0xac: {  	[dreg:$0x1] =	wrdreg $0xFFFFFFFF  }
0xad: {  	[dreg:$0x0] =	wrdreg $0x60  }
0xae: {  	[dreg:$0x2] =	wrdreg s24  }
0xaf: {  	[dreg:$0x3] =	wrdreg s2  }
0xb0: {  	[dreg:$0x4] =	wrdreg $0x0  }
0xb1: {  	[dreg:$0x5] =	wrdreg $0x9  }
0xb2: {  	_ =	task.clear_ibuf [dreg:s7], $0x6FFFF;
	_ =	strace $0x90000046  }
0xb3: {  	s29 =	simm.s32 $0x9;
	_ =	strace $0x80000048  }
0xb4: {  	_ =	swait.ge [sflag:s29], $0x1  }
0xb5: {  	[sflag:s29] =	ssyncadd.s32 $0xFFFFFFFF  }
0xb6: {  	_ =	strace $0x90000048  }
0xb7: {  	_ =	sfence  }
0xb8: {  	s30 =	sld [smem:$0x0];
	_ =	sdelay $0x2  }
0xb9: {  	s31 =	sshll.u32 s1, $0xD;
	s1 =	sshrl.u32 s1, $0x2  }
0xba: {  	s3 =	sand.u32 $0x4000, s31;
	s1 =	sadd.s32 s1, s30  }
0xbb: {  	s0 =	sor.u32 s3, s0;
	s1 =	sshll.u32 s1, $0x11  }
0xbc: {  	s0 =	sor.u32 s1, s0  }
0xbd: {  	s0 =	sadd.s32 $0x8F2B, s0  }
0xbe: {  	[sflag:s0] =	ssyncadd.remote.s32 $0x1  }
0xbf: {  	_ =	sfence.sel $0xFFFF  }
0xc0: {  	[dreg:$0x0] =	wrdreg $0xFFFFFFFF;
	(pc) =	sbr.abs _section_cstart, $3  }
0xc1: {  	[dreg:$0x1] =	wrdreg $0xFFFFFFFF  }
0xc2: {  	_ =	task.clear_ibuf [dreg:s7], $0x2FFFF;
	_ =	strace $0x9FFFFFFF  }
0xc3: {  	(tm) =	ssettm $0x7FFFFFFF  }
tec
execute0_lowered:
.L_overlay_start_1:
0x0: {  	(tag) =	ssettag $0x1  }
0x1: {  	s5 =	rddreg [dreg:$0x0]  }
0x2: {  	s2 =	rddreg [dreg:$0x1]  }
0x3: {  	s3 =	rddreg [dreg:$0x2]  }
0x4: {  	s0 =	rddreg [dreg:$0x3]  }
0x5: {  	s4 =	simm.s32 $0x0;
	s1 =	stileid.u32;
	s6 =	srdreg.scid  }
0x6: {  	s14 =	simm.s32 $0x80;
	s15 =	simm.s32 $0x0;
	[smem:$0x7FF] =	sst s4  }
0x7: {  	s7 =	smul.u32 $0x2800, s1;
	s6 =	sand.u32 $0x1, s6;
	s8 =	sshll.u32 s1, $0x5  }
0x8: {  	s11 =	smul.u32 $0x50000, s1;
	s30 =	sshll.u32 s1, $0x6;
	_ =	strace $0x80000047  }
0x9: {  	s9 =	smul.u32 $0x28000, s6;
	s8 =	sadd.s32 s8, s5;
	s10 =	ssub.s32 $0x2, s6  }
0xa: {  	s13 =	sshll.u32 s6, $0x4;
	s6 =	sor.u32 $0x1C01, s30;
	s12 =	sadd.s32 s7, s5  }
0xb: {  	s26 =	sshrl.u32 s10, $0x1;
	s28 =	sshrl.u32 s11, $0x2;
	s31 =	sadd.s32 s13, s8  }
0xc: {  	s11 =	simm.s32 $0x1;
	s13 =	simm.s32 $0x14000;
	s7 =	sadd.s32 s7, s9  }
0xd: {  	s9 =	ssub.s32 s10, s26;
	s29 =	sadd.s32 s28, s3;
	s7 =	sadd.s32 s7, s5  }
0xe: {  	s5 =	sadd.s32 $0xC200, s12;
	s8 =	smax.u32 s9, $0x1;
	s9 =	sadd.s32 $0x2400, s31  }
0xf: {  	s10 =	sshrl.u32 s29, $0x3;
	s12 =	simm.s32 $0x14080;
	s7 =	sadd.s32 $0x34200, s7  }
.LBB2_1:
0x10: {  	[spmem:s10], [sflag:s6] =	dma.local [hbm:s5], $0x2800  }
0x11: {  	_ =	swait.ge [sflag:s11], $0x2800  }
0x12: {  	[sflag:s11] =	ssyncset.done $0x0  }
0x13: {  	[sflag:s11] =	ssyncadd.s32 $0xFFFFD800  }
0x14: {  	[tilespmem:s12], [sflag:$0x1] =	stream.linear.gather [hbm4b:s2+s4], $0x4000, $0x38;
	[tilespmem:$0x18080] =	vst v63  }
0x15: {  	_ =	swait.ge [sflag:s11], $0x4000  }
0x16: {  	[sflag:s11] =	ssyncset.done $0x0  }
0x17: {  	[sflag:s11] =	ssyncadd.s32 $0xFFFFC000  }
0x18: {  	s16 =	sadd.s32 $0x0, s9;
	[bflag:$0x0] =	sbarrier.arrive $0xFFFF  }
0x19: {  	[tilespmem:s13], [sflag:$0x1] =	stream.linear.gather [hbm4b:s16+s4], $0x80, $0x38;
	[tilespmem:$0x18080] =	vst v63  }
0x1a: {  	_ =	swait.ge [sflag:s11], $0x80  }
0x1b: {  	[sflag:s11] =	ssyncset.done $0x0  }
0x1c: {  	[sflag:s11] =	ssyncadd.s32 $0xFFFFFF80  }
0x1d: {  	[spmem:s3] =	stream.indirect.scatter.add.f32 [tilespmem:s12], [sflag:$0x1], $0x80, s13, s14, $0xb8;
	[tilespmem:$0x18080] =	vst v63  }
0x1e: {  	_ =	swait.ge [sflag:s11], $0x4000  }
0x1f: {  	s17 =	simm.s32 $0x400;
	s16 =	simm.s32 $0x200;
	[sflag:s11] =	ssyncset.done $0x0  }
.LBB2_2:
0x20: {  	s18 =	sadd.s32 s16, s9  }
0x21: {  	[sflag:s11] =	ssyncadd.s32 $0xFFFFC000;
	s16 =	smov.u32 s17;
	s19 =	sadd.s32 $0x200, s17  }
0x22: {  	[tilespmem:s13], [sflag:$0x1] =	stream.linear.gather [hbm4b:s18+s4], $0x80, $0x38;
	[tilespmem:$0x18080] =	vst v63  }
0x23: {  	p0 =	sne.s32 s17, $0x9C00;
	_ =	swait.ge [sflag:s11], $0x80  }
.Ltmp0:
0x24: {  	[sflag:s11] =	ssyncset.done $0x0;
	(pc) =	sbr.rel @p0 .LBB2_2-.Ltmp0, $4  }
0x25: {  	[sflag:s11] =	ssyncadd.s32 $0xFFFFFF80  }
0x26: {  	[spmem:s3] =	stream.indirect.scatter.add.f32 [tilespmem:s12], [sflag:$0x1], $0x80, s13, s14, $0xb8;
	[tilespmem:$0x18080] =	vst v63  }
0x27: {  	_ =	swait.ge [sflag:s11], $0x4000  }
0x28: {  	s17 =	smov.u32 s19;
	[sflag:s11] =	ssyncset.done $0x0  }
0x29: {  	s16 =	sadd.s32 s16, s9;
	[sflag:s11] =	ssyncadd.s32 $0xFFFFC000  }
0x2a: {  	[tilespmem:s13], [sflag:$0x1] =	stream.linear.gather [hbm4b:s16+s4], $0x80, $0x38;
	[tilespmem:$0x18080] =	vst v63  }
0x2b: {  	_ =	swait.ge [sflag:s11], $0x80  }
0x2c: {  	[sflag:s11] =	ssyncset.done $0x0  }
0x2d: {  	[sflag:s11] =	ssyncadd.s32 $0xFFFFFF80  }
0x2e: {  	[spmem:s3] =	stream.indirect.scatter.add.f32 [tilespmem:s12], [sflag:$0x1], $0x80, s13, s14, $0xb8;
	[tilespmem:$0x18080] =	vst v63  }
0x2f: {  	_ =	swait.ge [sflag:s11], $0x4000  }
0x30: {  	s15 =	sadd.s32 $0x1, s15;
	[sflag:s11] =	ssyncset.done $0x0  }
0x31: {  	p0 =	sne.s32 s15, s8;
	[sflag:s11] =	ssyncadd.s32 $0xFFFFC000  }
.Ltmp1:
0x32: {  	[bflag:$0x0] =	sbarrier.arrive $0xFFFF;
	(pc) =	sbr.rel @p0 .LBB2_1-.Ltmp1, $4  }
0x33: {  	[hbm:s7], [sflag:s6] =	dma.local [spmem:s10], $0x2800  }
0x34: {  	_ =	swait.ge [sflag:s11], $0x2800  }
0x35: {  	[sflag:s11] =	ssyncset.done $0x0  }
0x36: {  	[sflag:s11] =	ssyncadd.s32 $0xFFFFD800  }
0x37: {  	_ =	sfence.sel $0x180000  }
0x38: {  	[bflag:$0x0] =	sbarrier.arrive $0xFFFF  }
0x39: {  	p0 =	sne.s32 s1, $0x0;
	_ =	strace $0x90000047  }
0x3a: {  	s0 =	sadd.s32 @!p0 $0x100000, s0;
	[bflag:$0x2] =	sbarrier.arrive $0xFFFF  }
0x3b: {  	[sflag:s0] =	ssyncadd.tile.s32 @!p0 $0x1;
	_ =	shalt  }
.Lfunc_end2:
_tile_overlayer_lowered:
.L_overlay_start_2:
0x3c: {  	(tag) =	ssettag $0x2  }
0x3d: {  	s0 =	rddreg [dreg:$0x0];
	s2 =	stileid.u32  }
0x3e: {  	s1 =	rddreg [dreg:$0x1];
	p0 =	sne.s32 s2, $0x0  }
0x3f: {  	s3 =	rddreg [dreg:$0x2];
	[bflag:$0x3] =	sbarrier.arrive $0xFFFF;
	s2 =	simm.s32 @!p0 $0x1C01  }
0x40: {  	[timem:s3], [sflag:s2] =	dma.local @!p0 [hbm:s0], s1  }
0x41: {  	s0 =	simm.s32 @!p0 $0x1  }
0x42: {  	_ =	swait.ge @!p0 [sflag:s0], s1  }
0x43: {  	s1 =	ssub.s32 @!p0 $0x0, s1;
	[sflag:s0] =	ssyncset.done @!p0 $0x0  }
0x44: {  	[sflag:s0] =	ssyncadd.s32 @!p0 s1  }
0x45: {  	[bflag:$0x3] =	sbarrier.arrive $0xFFFF  }
0x46: {  	_ =	shalt  }

</sc_bundles>
